<compile_context>
chip_gen: v7x
topology: tpu7x:2x2x1
jax: 0.10.2.dev20260603
libtpu: 0.0.44.dev20260713+nightly
codegen_flags: <defaults>
</compile_context>

<pallas_src>
import jax
import jax.numpy as jnp
from jax import lax
from jax.experimental import pallas as pl
from jax.experimental.pallas import tpu as pltpu

_TH = 16


def _conv_dw_path(xc, xt, xb, w1b, wd, t, nt, F, W_):
    f32 = jnp.float32
    bf = jnp.bfloat16
    y_c = jnp.dot(w1b, xc.astype(bf), preferred_element_type=f32)
    y_t = jnp.dot(w1b, xt.astype(bf), preferred_element_type=f32)
    y_b = jnp.dot(w1b, xb.astype(bf), preferred_element_type=f32)
    tmask = (t > 0).astype(f32)
    bmask = (t < nt - 1).astype(f32)
    ext = jnp.concatenate([y_t * tmask, y_c, y_b * bmask], axis=1)
    ext = ext.astype(bf).astype(f32)
    E = F + 2 * W_
    zcol = jnp.zeros((ext.shape[0], 1), f32)
    jj = lax.broadcasted_iota(jnp.int32, (1, E), 1) % W_
    left = jnp.concatenate([zcol, ext[:, :-1]], axis=1) * (jj != 0).astype(f32)
    right = jnp.concatenate([ext[:, 1:], zcol], axis=1) * \
        (jj != (W_ - 1)).astype(f32)
    srcs = (left, ext, right)
    acc = jnp.zeros_like(xc)
    for di in range(3):
        for dj in range(3):
            acc = acc + (wd[:, 3 * di + dj: 3 * di + dj + 1] *
                         srcs[dj][:, di * W_: di * W_ + F])
    return acc


def _stage_a1_body(F, W_):
    def body(xqc, xqt, xqb, xkc, xkt, xkb, qw, qdw, kw, kdw,
             qs_ref, ks_ref):
        t = pl.program_id(1)
        nt = pl.num_programs(1)
        q = _conv_dw_path(xqc[0], xqt[0], xqb[0], qw[...], qdw[...],
                          t, nt, F, W_)
        k = _conv_dw_path(xkc[0], xkt[0], xkb[0], kw[...], kdw[...],
                          t, nt, F, W_)
        @pl.when(t == 0)
        def _init():
            qs_ref[...] = jnp.zeros_like(qs_ref)
            ks_ref[...] = jnp.zeros_like(ks_ref)

        qs_ref[...] += jnp.sum(q * q, axis=1, keepdims=True)[None]
        ks_ref[...] += jnp.sum(k * k, axis=1, keepdims=True)[None]

    return body


def _topk_softmax(attn):
    BIG = jnp.float32(3.0e38)
    C, Ch = attn.shape
    ndrop = Ch - int(Ch * 0.9)
    colid = lax.broadcasted_iota(jnp.int32, (C, Ch), 1)
    A = attn
    dropped = jnp.zeros((C, Ch), jnp.bool_)
    for _ in range(ndrop):
        m = jnp.min(A, axis=1, keepdims=True)
        cand = jnp.where(A == m, colid, -1)
        jmax = jnp.max(cand, axis=1, keepdims=True)
        drop = colid == jmax
        dropped = jnp.logical_or(dropped, drop)
        A = jnp.where(drop, BIG, A)
    kept = jnp.logical_not(dropped)
    mx = jnp.max(jnp.where(kept, attn, -BIG), axis=1, keepdims=True)
    e = jnp.where(kept, jnp.exp(attn - mx), 0.0)
    return e / jnp.sum(e, axis=1, keepdims=True)


def _stage_a2_body(heads, F, W_):
    def body(xqc, xqt, xqb, xkc, xkt, xkb, qw, qdw, kw, kdw,
             qs_ref, ks_ref, g_ref):
        t = pl.program_id(1)
        nt = pl.num_programs(1)
        bf = jnp.bfloat16
        q = _conv_dw_path(xqc[0], xqt[0], xqb[0], qw[...], qdw[...],
                          t, nt, F, W_)
        k = _conv_dw_path(xkc[0], xkt[0], xkb[0], kw[...], kdw[...],
                          t, nt, F, W_)
        C = q.shape[0]
        Ch = C // heads
        sq = jnp.maximum(jnp.sqrt(qs_ref[0]), 1e-12)
        sk = jnp.maximum(jnp.sqrt(ks_ref[0]), 1e-12)
        qb = (q / sq).astype(bf)
        kb = (k / sk).astype(bf)

        @pl.when(t == 0)
        def _init():
            g_ref[...] = jnp.zeros_like(g_ref)

        g_parts = []
        for h in range(heads):
            g_parts.append(lax.dot_general(
                qb[h * Ch:(h + 1) * Ch], kb[h * Ch:(h + 1) * Ch],
                (((1,), (1,)), ((), ())),
                preferred_element_type=jnp.float32))
        g_ref[...] += jnp.concatenate(g_parts, axis=0)[None]

    return body


def _stage_b_body(heads):
    def body(g_ref, temp_ref, s_ref):
        attn = g_ref[0] * temp_ref[...]
        s_ref[...] = _topk_softmax(attn)[None]

    return body


def _stage_c_body(heads, F, W_):
    def body(xkc, xkt, xkb, vw, vdw, s_ref, projb_ref, a4_ref, out_ref):
        t = pl.program_id(1)
        nt = pl.num_programs(1)
        f32 = jnp.float32
        bf = jnp.bfloat16
        v = _conv_dw_path(xkc[0], xkt[0], xkb[0], vw[...], vdw[...],
                          t, nt, F, W_)
        C = v.shape[0]
        Ch = C // heads
        vb = v.astype(bf)
        sb = s_ref[0].astype(bf)
        parts = []
        for h in range(heads):
            parts.append(jnp.dot(sb[h * Ch:(h + 1) * Ch],
                                 vb[h * Ch:(h + 1) * Ch],
                                 preferred_element_type=f32))
        out1 = jnp.concatenate(parts, axis=0) * a4_ref[0, 0]
        out_ref[...] = jnp.dot(projb_ref[...], out1.astype(bf),
                               preferred_element_type=f32)[None]

    return body


def kernel(x_q, x_kv, q_w, q_dw_w, kv_w, kv_dw_w, proj_w, temperature, attn4):
    B_, C, H_, W_ = x_q.shape
    heads = temperature.shape[0]
    Ch = C // heads
    N_ = H_ * W_
    Th = _TH
    nT = H_ // Th
    F = Th * W_
    f32 = jnp.float32
    bf = jnp.bfloat16

    xq2 = x_q.reshape(B_, C, N_)
    xk2 = x_kv.reshape(B_, C, N_)
    qwb = q_w.reshape(C, C).astype(bf)
    kwb = kv_w[:C].reshape(C, C).astype(bf)
    vwb = kv_w[C:].reshape(C, C).astype(bf)
    qdw2 = q_dw_w.reshape(C, 9)
    kdw2 = kv_dw_w[:C].reshape(C, 9)
    vdw2 = kv_dw_w[C:].reshape(C, 9)
    projb = proj_w.reshape(C, C).astype(bf)
    temp_rows = jnp.repeat(temperature.reshape(heads), Ch).reshape(C, 1)
    a4 = attn4.reshape(1, 1)

    center = pl.BlockSpec((1, C, F), lambda b, t: (b, 0, t))
    halo_t = pl.BlockSpec((1, C, W_),
                          lambda b, t: (b, 0, jnp.maximum(t * Th - 1, 0)))
    halo_b = pl.BlockSpec((1, C, W_),
                          lambda b, t: (b, 0, jnp.minimum(t * Th + Th, H_ - 1)))
    wfull = lambda shape: pl.BlockSpec(shape, lambda b, t: (0,) * len(shape))
    acc_spec = lambda shape: pl.BlockSpec(shape, lambda b, t: (b,) + (0,) * (len(shape) - 1))

    conv_ins = [center, halo_t, halo_b, center, halo_t, halo_b,
                wfull((C, C)), wfull((C, 9)), wfull((C, C)), wfull((C, 9))]

    qs, ks = pl.pallas_call(
        _stage_a1_body(F, W_),
        grid=(B_, nT),
        in_specs=conv_ins,
        out_specs=[acc_spec((1, C, 1)), acc_spec((1, C, 1))],
        out_shape=[jax.ShapeDtypeStruct((B_, C, 1), f32),
                   jax.ShapeDtypeStruct((B_, C, 1), f32)],
        compiler_params=pltpu.CompilerParams(
            dimension_semantics=("parallel", "arbitrary")),
    )(xq2, xq2, xq2, xk2, xk2, xk2, qwb, qdw2, kwb, kdw2)

    g = pl.pallas_call(
        _stage_a2_body(heads, F, W_),
        grid=(B_, nT),
        in_specs=conv_ins + [acc_spec((1, C, 1)), acc_spec((1, C, 1))],
        out_specs=acc_spec((1, C, Ch)),
        out_shape=jax.ShapeDtypeStruct((B_, C, Ch), f32),
        compiler_params=pltpu.CompilerParams(
            dimension_semantics=("parallel", "arbitrary")),
    )(xq2, xq2, xq2, xk2, xk2, xk2, qwb, qdw2, kwb, kdw2, qs, ks)

    s = pl.pallas_call(
        _stage_b_body(heads),
        grid=(B_,),
        in_specs=[pl.BlockSpec((1, C, Ch), lambda b: (b, 0, 0)),
                  pl.BlockSpec((C, 1), lambda b: (0, 0))],
        out_specs=pl.BlockSpec((1, C, Ch), lambda b: (b, 0, 0)),
        out_shape=jax.ShapeDtypeStruct((B_, C, Ch), f32),
    )(g, temp_rows)

    out = pl.pallas_call(
        _stage_c_body(heads, F, W_),
        grid=(B_, nT),
        in_specs=[center, halo_t, halo_b, wfull((C, C)), wfull((C, 9)),
                  acc_spec((1, C, Ch)), wfull((C, C)), wfull((1, 1))],
        out_specs=pl.BlockSpec((1, C, F), lambda b, t: (b, 0, t)),
        out_shape=jax.ShapeDtypeStruct((B_, C, N_), f32),
        compiler_params=pltpu.CompilerParams(
            dimension_semantics=("parallel", "parallel")),
    )(xk2, xk2, xk2, vwb, vdw2, s, projb, a4)

    return out.reshape(B_, C, H_, W_)

# --- scband reference (transcript-rebuilt; emitter-appended) ---
"""Pipeline reference for scband-topm-cross-attention-restormer-privileged-3882650436784 (READ-ONLY COPY).

The authoritative reference and input builder live on the scoring server;
editing this copy changes nothing except your own understanding.
"""

import jax, jax.numpy as jnp
import numpy as np

B = 2
DIM = 96
HEADS = 4
H = 384
W = 384


def conv1x1(x, w):
    return jax.lax.conv_general_dilated(
        x, w, window_strides=(1, 1), padding=((0, 0), (0, 0)),
        dimension_numbers=('NCHW', 'OIHW', 'NCHW'))


def dwconv3x3(x, w, groups):
    return jax.lax.conv_general_dilated(
        x, w, window_strides=(1, 1), padding=((1, 1), (1, 1)),
        dimension_numbers=('NCHW', 'OIHW', 'NCHW'),
        feature_group_count=groups)


def setup_inputs(seed: int = 0) -> dict:
    key = jax.random.key(seed)
    ks = jax.random.split(key, 8)
    x_q = jax.random.normal(ks[0], (B, DIM, H, W), dtype=jnp.float32)
    x_kv = jax.random.normal(ks[1], (B, DIM, H, W), dtype=jnp.float32)
    q_w = jax.random.normal(ks[2], (DIM, DIM, 1, 1), dtype=jnp.float32) * 0.05
    q_dw_w = jax.random.normal(ks[3], (DIM, 1, 3, 3), dtype=jnp.float32) * 0.1
    kv_w = jax.random.normal(ks[4], (2 * DIM, DIM, 1, 1), dtype=jnp.float32) * 0.05
    kv_dw_w = jax.random.normal(ks[5], (2 * DIM, 1, 3, 3), dtype=jnp.float32) * 0.1
    proj_w = jax.random.normal(ks[6], (DIM, DIM, 1, 1), dtype=jnp.float32) * 0.05
    temperature = jnp.ones((HEADS, 1, 1), dtype=jnp.float32)
    attn4 = jnp.array([0.2], dtype=jnp.float32)
    return dict(x_q=x_q, x_kv=x_kv, q_w=q_w, q_dw_w=q_dw_w, kv_w=kv_w,
                kv_dw_w=kv_dw_w, proj_w=proj_w, temperature=temperature,
                attn4=attn4)


def reference(x_q, x_kv, q_w, q_dw_w, kv_w, kv_dw_w, proj_w, temperature, attn4):
    b, c, h, w = x_q.shape
    N = h * w
    q = dwconv3x3(conv1x1(x_q, q_w), q_dw_w, c)
    kv = dwconv3x3(conv1x1(x_kv, kv_w), kv_dw_w, 2 * c)
    k, v = jnp.split(kv, 2, axis=1)
    q = q.reshape(b, HEADS, c // HEADS, N)
    k = k.reshape(b, HEADS, c // HEADS, N)
    v = v.reshape(b, HEADS, c // HEADS, N)
    # F.normalize along last dim (eps=1e-12)
    q = q / jnp.clip(jnp.linalg.norm(q, axis=-1, keepdims=True), 1e-12)
    k = k / jnp.clip(jnp.linalg.norm(k, axis=-1, keepdims=True), 1e-12)
    C = q.shape[2]
    attn = jnp.einsum('bhcn,bhdn->bhcd', q, k) * temperature
    kk = int(C * 0.9)
    vals, idx = jax.lax.top_k(attn, kk)
    # scatter True at top-k indices along last dim
    mask = jax.nn.one_hot(idx, C, dtype=jnp.bool_).any(axis=-2)
    masked_attn = jnp.where(mask, attn, jnp.full_like(attn, -jnp.inf))
    attn_score = jax.nn.softmax(masked_attn, axis=-1)
    out = jnp.einsum('bhcd,bhdn->bhcn', attn_score, v)
    out = out * attn4
    out = out.reshape(b, c, h, w)
    out = conv1x1(out, proj_w)
    return out

if __name__ == "__main__":
    import jax
    _d = setup_inputs()
    print(jax.jit(kernel)(*tuple(_d.values())))

</pallas_src>

<mosaic_0001>
module attributes {stable_mosaic.version = 14 : i64} {
  func.func @body(%arg0: i32, %arg1: i32, %arg2: memref<1x96x6144xf32, #tpu.memory_space<vmem>>, %arg3: memref<1x96x384xf32, #tpu.memory_space<vmem>>, %arg4: memref<1x96x384xf32, #tpu.memory_space<vmem>>, %arg5: memref<1x96x6144xf32, #tpu.memory_space<vmem>>, %arg6: memref<1x96x384xf32, #tpu.memory_space<vmem>>, %arg7: memref<1x96x384xf32, #tpu.memory_space<vmem>>, %arg8: memref<96x96xbf16, #tpu.memory_space<vmem>>, %arg9: memref<96x9xf32, #tpu.memory_space<vmem>>, %arg10: memref<96x96xbf16, #tpu.memory_space<vmem>>, %arg11: memref<96x9xf32, #tpu.memory_space<vmem>>, %arg12: memref<1x96x1xf32, #tpu.memory_space<vmem>>, %arg13: memref<1x96x1xf32, #tpu.memory_space<vmem>>) attributes {dimension_semantics = [#tpu.dimension_semantics<parallel>, #tpu.dimension_semantics<arbitrary>], iteration_bounds = array<i64: 2, 24>, scalar_prefetch = 0 : i64, scratch_operands = 0 : i64, tpu.core_type = #tpu.core_type<tc>, window_params = [{transform_indices = @transform_0, window_bounds = array<i64: 1, 96, 6144>}, {transform_indices = @transform_1, window_bounds = array<i64: 1, 96, 384>}, {transform_indices = @transform_2, window_bounds = array<i64: 1, 96, 384>}, {transform_indices = @transform_3, window_bounds = array<i64: 1, 96, 6144>}, {transform_indices = @transform_4, window_bounds = array<i64: 1, 96, 384>}, {transform_indices = @transform_5, window_bounds = array<i64: 1, 96, 384>}, {pipeline_mode = #tpu.pipeline_mode<synchronous>, transform_indices = @transform_6, window_bounds = array<i64: 96, 96>}, {pipeline_mode = #tpu.pipeline_mode<synchronous>, transform_indices = @transform_7, window_bounds = array<i64: 96, 9>}, {pipeline_mode = #tpu.pipeline_mode<synchronous>, transform_indices = @transform_8, window_bounds = array<i64: 96, 96>}, {pipeline_mode = #tpu.pipeline_mode<synchronous>, transform_indices = @transform_9, window_bounds = array<i64: 96, 9>}, {transform_indices = @transform_10, window_bounds = array<i64: 1, 96, 1>}, {transform_indices = @transform_11, window_bounds = array<i64: 1, 96, 1>}]} {
    %get3A = arith.constant 0 : index
    %get3A_0 = arith.constant 0 : index
    %get3A_1 = arith.constant 0 : index
    %get3A_2 = vector.load %arg2[%get3A, %get3A_0, %get3A_1] : memref<1x96x6144xf32, #tpu.memory_space<vmem>>, vector<1x96x6144xf32>
    %get3A_3 = vector.shape_cast %get3A_2 : vector<1x96x6144xf32> to vector<96x6144xf32>
    %get3A_4 = arith.constant 0 : index
    %get3A_5 = arith.constant 0 : index
    %get3A_6 = arith.constant 0 : index
    %get3A_7 = vector.load %arg3[%get3A_4, %get3A_5, %get3A_6] : memref<1x96x384xf32, #tpu.memory_space<vmem>>, vector<1x96x384xf32>
    %get3A_8 = vector.shape_cast %get3A_7 : vector<1x96x384xf32> to vector<96x384xf32>
    %get3A_9 = arith.constant 0 : index
    %get3A_10 = arith.constant 0 : index
    %get3A_11 = arith.constant 0 : index
    %get3A_12 = vector.load %arg4[%get3A_9, %get3A_10, %get3A_11] : memref<1x96x384xf32, #tpu.memory_space<vmem>>, vector<1x96x384xf32>
    %get3A_13 = vector.shape_cast %get3A_12 : vector<1x96x384xf32> to vector<96x384xf32>
    %get3A_14 = arith.constant 0 : index
    %get3A_15 = arith.constant 0 : index
    %get3A_16 = vector.load %arg8[%get3A_14, %get3A_15] : memref<96x96xbf16, #tpu.memory_space<vmem>>, vector<96x96xbf16>
    %get3A_17 = arith.constant 0 : index
    %get3A_18 = arith.constant 0 : index
    %get3A_19 = vector.load %arg9[%get3A_17, %get3A_18] : memref<96x9xf32, #tpu.memory_space<vmem>>, vector<96x9xf32>
    %convert_element_type3A = arith.truncf %get3A_3 : vector<96x6144xf32> to vector<96x6144xbf16>
    %dot_general3A = arith.constant dense<0.000000e+00> : vector<96x6144xf32>
    %dot_general3A_20 = tpu.matmul %get3A_16, %convert_element_type3A, %dot_general3A {dimension_numbers = #tpu.dot_dimension_numbers<[1], [0], [0], [1], [0, 0, 1, 1], [], []>, transpose_lhs_hint = false} : vector<96x96xbf16>, vector<96x6144xbf16>, vector<96x6144xf32> -> vector<96x6144xf32>
    %convert_element_type3A_21 = arith.truncf %get3A_8 : vector<96x384xf32> to vector<96x384xbf16>
    %dot_general3A_22 = arith.constant dense<0.000000e+00> : vector<96x384xf32>
    %dot_general3A_23 = tpu.matmul %get3A_16, %convert_element_type3A_21, %dot_general3A_22 {dimension_numbers = #tpu.dot_dimension_numbers<[1], [0], [0], [1], [0, 0, 1, 1], [], []>, transpose_lhs_hint = false} : vector<96x96xbf16>, vector<96x384xbf16>, vector<96x384xf32> -> vector<96x384xf32>
    %convert_element_type3A_24 = arith.truncf %get3A_13 : vector<96x384xf32> to vector<96x384xbf16>
    %dot_general3A_25 = arith.constant dense<0.000000e+00> : vector<96x384xf32>
    %dot_general3A_26 = tpu.matmul %get3A_16, %convert_element_type3A_24, %dot_general3A_25 {dimension_numbers = #tpu.dot_dimension_numbers<[1], [0], [0], [1], [0, 0, 1, 1], [], []>, transpose_lhs_hint = false} : vector<96x96xbf16>, vector<96x384xbf16>, vector<96x384xf32> -> vector<96x384xf32>
    %gt3A = arith.constant 0 : i32
    %gt3A_27 = arith.cmpi sgt, %arg1, %gt3A : i32
    %convert_element_type3A_28 = arith.extui %gt3A_27 : i1 to i32
    %convert_element_type3A_29 = arith.sitofp %convert_element_type3A_28 : i32 to f32
    %lt3A = arith.constant 23 : i32
    %lt3A_30 = arith.cmpi slt, %arg1, %lt3A : i32
    %convert_element_type3A_31 = arith.extui %lt3A_30 : i1 to i32
    %convert_element_type3A_32 = arith.sitofp %convert_element_type3A_31 : i32 to f32
    %mul3A = vector.broadcast %convert_element_type3A_29 : f32 to vector<96x384xf32>
    %mul3A_33 = arith.mulf %dot_general3A_23, %mul3A : vector<96x384xf32>
    %mul3A_34 = vector.broadcast %convert_element_type3A_32 : f32 to vector<96x384xf32>
    %mul3A_35 = arith.mulf %dot_general3A_26, %mul3A_34 : vector<96x384xf32>
    %concatenate3A = tpu.concatenate %mul3A_33, %dot_general3A_20, %mul3A_35 in 1 : vector<96x384xf32>, vector<96x6144xf32>, vector<96x384xf32> -> vector<96x6912xf32>
    %convert_element_type3A_36 = arith.truncf %concatenate3A : vector<96x6912xf32> to vector<96x6912xbf16>
    %convert_element_type3A_37 = arith.extf %convert_element_type3A_36 : vector<96x6912xbf16> to vector<96x6912xf32>
    %broadcast_in_dim3A = arith.constant 0.000000e+00 : f32
    %broadcast_in_dim3A_38 = vector.broadcast %broadcast_in_dim3A : f32 to vector<96x1xf32>
    %iota3A = tpu.iota {dimensions = array<i32: 1>} : vector<1x6912xi32>
    %jit3A = arith.constant 384 : i32
    %eq3A = arith.constant 0 : i32
    %eq3A_39 = arith.cmpi eq, %jit3A, %eq3A : i32
    %jit3A_40 = arith.constant 1 : i32
    %select_n3A = arith.select %eq3A_39, %jit3A_40, %jit3A : i32
    %rem3A = vector.broadcast %select_n3A : i32 to vector<1x6912xi32>
    %rem3A_41 = arith.remsi %iota3A, %rem3A : vector<1x6912xi32>
    %ne3A = arith.constant 0 : i32
    %ne3A_42 = vector.broadcast %ne3A : i32 to vector<1x6912xi32>
    %ne3A_43 = arith.cmpi ne, %rem3A_41, %ne3A_42 : vector<1x6912xi32>
    %lt3A_44 = arith.constant 0 : i32
    %lt3A_45 = vector.broadcast %lt3A_44 : i32 to vector<1x6912xi32>
    %lt3A_46 = arith.cmpi slt, %rem3A_41, %lt3A_45 : vector<1x6912xi32>
    %lt3A_47 = arith.constant 0 : i32
    %lt3A_48 = arith.cmpi slt, %select_n3A, %lt3A_47 : i32
    %ne3A_49 = vector.broadcast %lt3A_48 : i1 to vector<1x6912xi1>
    %ne3A_50 = vector.broadcast %ne3A_49 : vector<1x6912xi1> to vector<1x6912xi1>
    %ne3A_51 = arith.xori %lt3A_46, %ne3A_50 : vector<1x6912xi1>
    %and3A = arith.andi %ne3A_51, %ne3A_43 : vector<1x6912xi1>
    %add3A = vector.broadcast %select_n3A : i32 to vector<1x6912xi32>
    %add3A_52 = arith.addi %rem3A_41, %add3A : vector<1x6912xi32>
    %select_n3A_53 = arith.select %and3A, %add3A_52, %rem3A_41 : vector<1x6912xi1>, vector<1x6912xi32>
    %slice3A = vector.extract_strided_slice %convert_element_type3A_37 {offsets = [0, 0], sizes = [96, 6911], strides = [1, 1]} : vector<96x6912xf32> to vector<96x6911xf32>
    %concatenate3A_54 = tpu.concatenate %broadcast_in_dim3A_38, %slice3A in 1 : vector<96x1xf32>, vector<96x6911xf32> -> vector<96x6912xf32>
    %ne3A_55 = arith.constant 0 : i32
    %ne3A_56 = vector.broadcast %ne3A_55 : i32 to vector<1x6912xi32>
    %ne3A_57 = arith.cmpi ne, %select_n3A_53, %ne3A_56 : vector<1x6912xi32>
    %convert_element_type3A_58 = arith.extui %ne3A_57 : vector<1x6912xi1> to vector<1x6912xi32>
    %convert_element_type3A_59 = arith.sitofp %convert_element_type3A_58 : vector<1x6912xi32> to vector<1x6912xf32>
    %mul3A_60 = vector.broadcast %convert_element_type3A_59 : vector<1x6912xf32> to vector<96x6912xf32>
    %mul3A_61 = arith.mulf %concatenate3A_54, %mul3A_60 : vector<96x6912xf32>
    %slice3A_62 = vector.extract_strided_slice %convert_element_type3A_37 {offsets = [0, 1], sizes = [96, 6911], strides = [1, 1]} : vector<96x6912xf32> to vector<96x6911xf32>
    %concatenate3A_63 = tpu.concatenate %slice3A_62, %broadcast_in_dim3A_38 in 1 : vector<96x6911xf32>, vector<96x1xf32> -> vector<96x6912xf32>
    %ne3A_64 = arith.constant 383 : i32
    %ne3A_65 = vector.broadcast %ne3A_64 : i32 to vector<1x6912xi32>
    %ne3A_66 = arith.cmpi ne, %select_n3A_53, %ne3A_65 : vector<1x6912xi32>
    %convert_element_type3A_67 = arith.extui %ne3A_66 : vector<1x6912xi1> to vector<1x6912xi32>
    %convert_element_type3A_68 = arith.sitofp %convert_element_type3A_67 : vector<1x6912xi32> to vector<1x6912xf32>
    %mul3A_69 = vector.broadcast %convert_element_type3A_68 : vector<1x6912xf32> to vector<96x6912xf32>
    %mul3A_70 = arith.mulf %concatenate3A_63, %mul3A_69 : vector<96x6912xf32>
    %broadcast_in_dim3A_71 = arith.constant 0.000000e+00 : f32
    %broadcast_in_dim3A_72 = vector.broadcast %broadcast_in_dim3A_71 : f32 to vector<96x6144xf32>
    %slice3A_73 = vector.extract_strided_slice %get3A_19 {offsets = [0, 0], sizes = [96, 1], strides = [1, 1]} : vector<96x9xf32> to vector<96x1xf32>
    %slice3A_74 = vector.extract_strided_slice %mul3A_61 {offsets = [0, 0], sizes = [96, 6144], strides = [1, 1]} : vector<96x6912xf32> to vector<96x6144xf32>
    %mul3A_75 = vector.broadcast %slice3A_73 : vector<96x1xf32> to vector<96x6144xf32>
    %mul3A_76 = arith.mulf %mul3A_75, %slice3A_74 : vector<96x6144xf32>
    %add3A_77 = arith.addf %broadcast_in_dim3A_72, %mul3A_76 : vector<96x6144xf32>
    %slice3A_78 = vector.extract_strided_slice %get3A_19 {offsets = [0, 1], sizes = [96, 1], strides = [1, 1]} : vector<96x9xf32> to vector<96x1xf32>
    %slice3A_79 = vector.extract_strided_slice %convert_element_type3A_37 {offsets = [0, 0], sizes = [96, 6144], strides = [1, 1]} : vector<96x6912xf32> to vector<96x6144xf32>
    %mul3A_80 = vector.broadcast %slice3A_78 : vector<96x1xf32> to vector<96x6144xf32>
    %mul3A_81 = arith.mulf %mul3A_80, %slice3A_79 : vector<96x6144xf32>
    %add3A_82 = arith.addf %add3A_77, %mul3A_81 : vector<96x6144xf32>
    %slice3A_83 = vector.extract_strided_slice %get3A_19 {offsets = [0, 2], sizes = [96, 1], strides = [1, 1]} : vector<96x9xf32> to vector<96x1xf32>
    %slice3A_84 = vector.extract_strided_slice %mul3A_70 {offsets = [0, 0], sizes = [96, 6144], strides = [1, 1]} : vector<96x6912xf32> to vector<96x6144xf32>
    %mul3A_85 = vector.broadcast %slice3A_83 : vector<96x1xf32> to vector<96x6144xf32>
    %mul3A_86 = arith.mulf %mul3A_85, %slice3A_84 : vector<96x6144xf32>
    %add3A_87 = arith.addf %add3A_82, %mul3A_86 : vector<96x6144xf32>
    %slice3A_88 = vector.extract_strided_slice %get3A_19 {offsets = [0, 3], sizes = [96, 1], strides = [1, 1]} : vector<96x9xf32> to vector<96x1xf32>
    %slice3A_89 = vector.extract_strided_slice %mul3A_61 {offsets = [0, 384], sizes = [96, 6144], strides = [1, 1]} : vector<96x6912xf32> to vector<96x6144xf32>
    %mul3A_90 = vector.broadcast %slice3A_88 : vector<96x1xf32> to vector<96x6144xf32>
    %mul3A_91 = arith.mulf %mul3A_90, %slice3A_89 : vector<96x6144xf32>
    %add3A_92 = arith.addf %add3A_87, %mul3A_91 : vector<96x6144xf32>
    %slice3A_93 = vector.extract_strided_slice %get3A_19 {offsets = [0, 4], sizes = [96, 1], strides = [1, 1]} : vector<96x9xf32> to vector<96x1xf32>
    %slice3A_94 = vector.extract_strided_slice %convert_element_type3A_37 {offsets = [0, 384], sizes = [96, 6144], strides = [1, 1]} : vector<96x6912xf32> to vector<96x6144xf32>
    %mul3A_95 = vector.broadcast %slice3A_93 : vector<96x1xf32> to vector<96x6144xf32>
    %mul3A_96 = arith.mulf %mul3A_95, %slice3A_94 : vector<96x6144xf32>
    %add3A_97 = arith.addf %add3A_92, %mul3A_96 : vector<96x6144xf32>
    %slice3A_98 = vector.extract_strided_slice %get3A_19 {offsets = [0, 5], sizes = [96, 1], strides = [1, 1]} : vector<96x9xf32> to vector<96x1xf32>
    %slice3A_99 = vector.extract_strided_slice %mul3A_70 {offsets = [0, 384], sizes = [96, 6144], strides = [1, 1]} : vector<96x6912xf32> to vector<96x6144xf32>
    %mul3A_100 = vector.broadcast %slice3A_98 : vector<96x1xf32> to vector<96x6144xf32>
    %mul3A_101 = arith.mulf %mul3A_100, %slice3A_99 : vector<96x6144xf32>
    %add3A_102 = arith.addf %add3A_97, %mul3A_101 : vector<96x6144xf32>
    %slice3A_103 = vector.extract_strided_slice %get3A_19 {offsets = [0, 6], sizes = [96, 1], strides = [1, 1]} : vector<96x9xf32> to vector<96x1xf32>
    %slice3A_104 = vector.extract_strided_slice %mul3A_61 {offsets = [0, 768], sizes = [96, 6144], strides = [1, 1]} : vector<96x6912xf32> to vector<96x6144xf32>
    %mul3A_105 = vector.broadcast %slice3A_103 : vector<96x1xf32> to vector<96x6144xf32>
    %mul3A_106 = arith.mulf %mul3A_105, %slice3A_104 : vector<96x6144xf32>
    %add3A_107 = arith.addf %add3A_102, %mul3A_106 : vector<96x6144xf32>
    %slice3A_108 = vector.extract_strided_slice %get3A_19 {offsets = [0, 7], sizes = [96, 1], strides = [1, 1]} : vector<96x9xf32> to vector<96x1xf32>
    %slice3A_109 = vector.extract_strided_slice %convert_element_type3A_37 {offsets = [0, 768], sizes = [96, 6144], strides = [1, 1]} : vector<96x6912xf32> to vector<96x6144xf32>
    %mul3A_110 = vector.broadcast %slice3A_108 : vector<96x1xf32> to vector<96x6144xf32>
    %mul3A_111 = arith.mulf %mul3A_110, %slice3A_109 : vector<96x6144xf32>
    %add3A_112 = arith.addf %add3A_107, %mul3A_111 : vector<96x6144xf32>
    %slice3A_113 = vector.extract_strided_slice %get3A_19 {offsets = [0, 8], sizes = [96, 1], strides = [1, 1]} : vector<96x9xf32> to vector<96x1xf32>
    %slice3A_114 = vector.extract_strided_slice %mul3A_70 {offsets = [0, 768], sizes = [96, 6144], strides = [1, 1]} : vector<96x6912xf32> to vector<96x6144xf32>
    %mul3A_115 = vector.broadcast %slice3A_113 : vector<96x1xf32> to vector<96x6144xf32>
    %mul3A_116 = arith.mulf %mul3A_115, %slice3A_114 : vector<96x6144xf32>
    %add3A_117 = arith.addf %add3A_112, %mul3A_116 : vector<96x6144xf32>
    %get3A_118 = arith.constant 0 : index
    %get3A_119 = arith.constant 0 : index
    %get3A_120 = arith.constant 0 : index
    %get3A_121 = vector.load %arg5[%get3A_118, %get3A_119, %get3A_120] : memref<1x96x6144xf32, #tpu.memory_space<vmem>>, vector<1x96x6144xf32>
    %get3A_122 = vector.shape_cast %get3A_121 : vector<1x96x6144xf32> to vector<96x6144xf32>
    %get3A_123 = arith.constant 0 : index
    %get3A_124 = arith.constant 0 : index
    %get3A_125 = arith.constant 0 : index
    %get3A_126 = vector.load %arg6[%get3A_123, %get3A_124, %get3A_125] : memref<1x96x384xf32, #tpu.memory_space<vmem>>, vector<1x96x384xf32>
    %get3A_127 = vector.shape_cast %get3A_126 : vector<1x96x384xf32> to vector<96x384xf32>
    %get3A_128 = arith.constant 0 : index
    %get3A_129 = arith.constant 0 : index
    %get3A_130 = arith.constant 0 : index
    %get3A_131 = vector.load %arg7[%get3A_128, %get3A_129, %get3A_130] : memref<1x96x384xf32, #tpu.memory_space<vmem>>, vector<1x96x384xf32>
    %get3A_132 = vector.shape_cast %get3A_131 : vector<1x96x384xf32> to vector<96x384xf32>
    %get3A_133 = arith.constant 0 : index
    %get3A_134 = arith.constant 0 : index
    %get3A_135 = vector.load %arg10[%get3A_133, %get3A_134] : memref<96x96xbf16, #tpu.memory_space<vmem>>, vector<96x96xbf16>
    %get3A_136 = arith.constant 0 : index
    %get3A_137 = arith.constant 0 : index
    %get3A_138 = vector.load %arg11[%get3A_136, %get3A_137] : memref<96x9xf32, #tpu.memory_space<vmem>>, vector<96x9xf32>
    %convert_element_type3A_139 = arith.truncf %get3A_122 : vector<96x6144xf32> to vector<96x6144xbf16>
    %dot_general3A_140 = arith.constant dense<0.000000e+00> : vector<96x6144xf32>
    %dot_general3A_141 = tpu.matmul %get3A_135, %convert_element_type3A_139, %dot_general3A_140 {dimension_numbers = #tpu.dot_dimension_numbers<[1], [0], [0], [1], [0, 0, 1, 1], [], []>, transpose_lhs_hint = false} : vector<96x96xbf16>, vector<96x6144xbf16>, vector<96x6144xf32> -> vector<96x6144xf32>
    %convert_element_type3A_142 = arith.truncf %get3A_127 : vector<96x384xf32> to vector<96x384xbf16>
    %dot_general3A_143 = arith.constant dense<0.000000e+00> : vector<96x384xf32>
    %dot_general3A_144 = tpu.matmul %get3A_135, %convert_element_type3A_142, %dot_general3A_143 {dimension_numbers = #tpu.dot_dimension_numbers<[1], [0], [0], [1], [0, 0, 1, 1], [], []>, transpose_lhs_hint = false} : vector<96x96xbf16>, vector<96x384xbf16>, vector<96x384xf32> -> vector<96x384xf32>
    %convert_element_type3A_145 = arith.truncf %get3A_132 : vector<96x384xf32> to vector<96x384xbf16>
    %dot_general3A_146 = arith.constant dense<0.000000e+00> : vector<96x384xf32>
    %dot_general3A_147 = tpu.matmul %get3A_135, %convert_element_type3A_145, %dot_general3A_146 {dimension_numbers = #tpu.dot_dimension_numbers<[1], [0], [0], [1], [0, 0, 1, 1], [], []>, transpose_lhs_hint = false} : vector<96x96xbf16>, vector<96x384xbf16>, vector<96x384xf32> -> vector<96x384xf32>
    %gt3A_148 = arith.constant 0 : i32
    %gt3A_149 = arith.cmpi sgt, %arg1, %gt3A_148 : i32
    %convert_element_type3A_150 = arith.extui %gt3A_149 : i1 to i32
    %convert_element_type3A_151 = arith.sitofp %convert_element_type3A_150 : i32 to f32
    %lt3A_152 = arith.constant 23 : i32
    %lt3A_153 = arith.cmpi slt, %arg1, %lt3A_152 : i32
    %convert_element_type3A_154 = arith.extui %lt3A_153 : i1 to i32
    %convert_element_type3A_155 = arith.sitofp %convert_element_type3A_154 : i32 to f32
    %mul3A_156 = vector.broadcast %convert_element_type3A_151 : f32 to vector<96x384xf32>
    %mul3A_157 = arith.mulf %dot_general3A_144, %mul3A_156 : vector<96x384xf32>
    %mul3A_158 = vector.broadcast %convert_element_type3A_155 : f32 to vector<96x384xf32>
    %mul3A_159 = arith.mulf %dot_general3A_147, %mul3A_158 : vector<96x384xf32>
    %concatenate3A_160 = tpu.concatenate %mul3A_157, %dot_general3A_141, %mul3A_159 in 1 : vector<96x384xf32>, vector<96x6144xf32>, vector<96x384xf32> -> vector<96x6912xf32>
    %convert_element_type3A_161 = arith.truncf %concatenate3A_160 : vector<96x6912xf32> to vector<96x6912xbf16>
    %convert_element_type3A_162 = arith.extf %convert_element_type3A_161 : vector<96x6912xbf16> to vector<96x6912xf32>
    %broadcast_in_dim3A_163 = arith.constant 0.000000e+00 : f32
    %broadcast_in_dim3A_164 = vector.broadcast %broadcast_in_dim3A_163 : f32 to vector<96x1xf32>
    %iota3A_165 = tpu.iota {dimensions = array<i32: 1>} : vector<1x6912xi32>
    %jit3A_166 = arith.constant 384 : i32
    %eq3A_167 = arith.constant 0 : i32
    %eq3A_168 = arith.cmpi eq, %jit3A_166, %eq3A_167 : i32
    %jit3A_169 = arith.constant 1 : i32
    %select_n3A_170 = arith.select %eq3A_168, %jit3A_169, %jit3A_166 : i32
    %rem3A_171 = vector.broadcast %select_n3A_170 : i32 to vector<1x6912xi32>
    %rem3A_172 = arith.remsi %iota3A_165, %rem3A_171 : vector<1x6912xi32>
    %ne3A_173 = arith.constant 0 : i32
    %ne3A_174 = vector.broadcast %ne3A_173 : i32 to vector<1x6912xi32>
    %ne3A_175 = arith.cmpi ne, %rem3A_172, %ne3A_174 : vector<1x6912xi32>
    %lt3A_176 = arith.constant 0 : i32
    %lt3A_177 = vector.broadcast %lt3A_176 : i32 to vector<1x6912xi32>
    %lt3A_178 = arith.cmpi slt, %rem3A_172, %lt3A_177 : vector<1x6912xi32>
    %lt3A_179 = arith.constant 0 : i32
    %lt3A_180 = arith.cmpi slt, %select_n3A_170, %lt3A_179 : i32
    %ne3A_181 = vector.broadcast %lt3A_180 : i1 to vector<1x6912xi1>
    %ne3A_182 = vector.broadcast %ne3A_181 : vector<1x6912xi1> to vector<1x6912xi1>
    %ne3A_183 = arith.xori %lt3A_178, %ne3A_182 : vector<1x6912xi1>
    %and3A_184 = arith.andi %ne3A_183, %ne3A_175 : vector<1x6912xi1>
    %add3A_185 = vector.broadcast %select_n3A_170 : i32 to vector<1x6912xi32>
    %add3A_186 = arith.addi %rem3A_172, %add3A_185 : vector<1x6912xi32>
    %select_n3A_187 = arith.select %and3A_184, %add3A_186, %rem3A_172 : vector<1x6912xi1>, vector<1x6912xi32>
    %slice3A_188 = vector.extract_strided_slice %convert_element_type3A_162 {offsets = [0, 0], sizes = [96, 6911], strides = [1, 1]} : vector<96x6912xf32> to vector<96x6911xf32>
    %concatenate3A_189 = tpu.concatenate %broadcast_in_dim3A_164, %slice3A_188 in 1 : vector<96x1xf32>, vector<96x6911xf32> -> vector<96x6912xf32>
    %ne3A_190 = arith.constant 0 : i32
    %ne3A_191 = vector.broadcast %ne3A_190 : i32 to vector<1x6912xi32>
    %ne3A_192 = arith.cmpi ne, %select_n3A_187, %ne3A_191 : vector<1x6912xi32>
    %convert_element_type3A_193 = arith.extui %ne3A_192 : vector<1x6912xi1> to vector<1x6912xi32>
    %convert_element_type3A_194 = arith.sitofp %convert_element_type3A_193 : vector<1x6912xi32> to vector<1x6912xf32>
    %mul3A_195 = vector.broadcast %convert_element_type3A_194 : vector<1x6912xf32> to vector<96x6912xf32>
    %mul3A_196 = arith.mulf %concatenate3A_189, %mul3A_195 : vector<96x6912xf32>
    %slice3A_197 = vector.extract_strided_slice %convert_element_type3A_162 {offsets = [0, 1], sizes = [96, 6911], strides = [1, 1]} : vector<96x6912xf32> to vector<96x6911xf32>
    %concatenate3A_198 = tpu.concatenate %slice3A_197, %broadcast_in_dim3A_164 in 1 : vector<96x6911xf32>, vector<96x1xf32> -> vector<96x6912xf32>
    %ne3A_199 = arith.constant 383 : i32
    %ne3A_200 = vector.broadcast %ne3A_199 : i32 to vector<1x6912xi32>
    %ne3A_201 = arith.cmpi ne, %select_n3A_187, %ne3A_200 : vector<1x6912xi32>
    %convert_element_type3A_202 = arith.extui %ne3A_201 : vector<1x6912xi1> to vector<1x6912xi32>
    %convert_element_type3A_203 = arith.sitofp %convert_element_type3A_202 : vector<1x6912xi32> to vector<1x6912xf32>
    %mul3A_204 = vector.broadcast %convert_element_type3A_203 : vector<1x6912xf32> to vector<96x6912xf32>
    %mul3A_205 = arith.mulf %concatenate3A_198, %mul3A_204 : vector<96x6912xf32>
    %broadcast_in_dim3A_206 = arith.constant 0.000000e+00 : f32
    %broadcast_in_dim3A_207 = vector.broadcast %broadcast_in_dim3A_206 : f32 to vector<96x6144xf32>
    %slice3A_208 = vector.extract_strided_slice %get3A_138 {offsets = [0, 0], sizes = [96, 1], strides = [1, 1]} : vector<96x9xf32> to vector<96x1xf32>
    %slice3A_209 = vector.extract_strided_slice %mul3A_196 {offsets = [0, 0], sizes = [96, 6144], strides = [1, 1]} : vector<96x6912xf32> to vector<96x6144xf32>
    %mul3A_210 = vector.broadcast %slice3A_208 : vector<96x1xf32> to vector<96x6144xf32>
    %mul3A_211 = arith.mulf %mul3A_210, %slice3A_209 : vector<96x6144xf32>
    %add3A_212 = arith.addf %broadcast_in_dim3A_207, %mul3A_211 : vector<96x6144xf32>
    %slice3A_213 = vector.extract_strided_slice %get3A_138 {offsets = [0, 1], sizes = [96, 1], strides = [1, 1]} : vector<96x9xf32> to vector<96x1xf32>
    %slice3A_214 = vector.extract_strided_slice %convert_element_type3A_162 {offsets = [0, 0], sizes = [96, 6144], strides = [1, 1]} : vector<96x6912xf32> to vector<96x6144xf32>
    %mul3A_215 = vector.broadcast %slice3A_213 : vector<96x1xf32> to vector<96x6144xf32>
    %mul3A_216 = arith.mulf %mul3A_215, %slice3A_214 : vector<96x6144xf32>
    %add3A_217 = arith.addf %add3A_212, %mul3A_216 : vector<96x6144xf32>
    %slice3A_218 = vector.extract_strided_slice %get3A_138 {offsets = [0, 2], sizes = [96, 1], strides = [1, 1]} : vector<96x9xf32> to vector<96x1xf32>
    %slice3A_219 = vector.extract_strided_slice %mul3A_205 {offsets = [0, 0], sizes = [96, 6144], strides = [1, 1]} : vector<96x6912xf32> to vector<96x6144xf32>
    %mul3A_220 = vector.broadcast %slice3A_218 : vector<96x1xf32> to vector<96x6144xf32>
    %mul3A_221 = arith.mulf %mul3A_220, %slice3A_219 : vector<96x6144xf32>
    %add3A_222 = arith.addf %add3A_217, %mul3A_221 : vector<96x6144xf32>
    %slice3A_223 = vector.extract_strided_slice %get3A_138 {offsets = [0, 3], sizes = [96, 1], strides = [1, 1]} : vector<96x9xf32> to vector<96x1xf32>
    %slice3A_224 = vector.extract_strided_slice %mul3A_196 {offsets = [0, 384], sizes = [96, 6144], strides = [1, 1]} : vector<96x6912xf32> to vector<96x6144xf32>
    %mul3A_225 = vector.broadcast %slice3A_223 : vector<96x1xf32> to vector<96x6144xf32>
    %mul3A_226 = arith.mulf %mul3A_225, %slice3A_224 : vector<96x6144xf32>
    %add3A_227 = arith.addf %add3A_222, %mul3A_226 : vector<96x6144xf32>
    %slice3A_228 = vector.extract_strided_slice %get3A_138 {offsets = [0, 4], sizes = [96, 1], strides = [1, 1]} : vector<96x9xf32> to vector<96x1xf32>
    %slice3A_229 = vector.extract_strided_slice %convert_element_type3A_162 {offsets = [0, 384], sizes = [96, 6144], strides = [1, 1]} : vector<96x6912xf32> to vector<96x6144xf32>
    %mul3A_230 = vector.broadcast %slice3A_228 : vector<96x1xf32> to vector<96x6144xf32>
    %mul3A_231 = arith.mulf %mul3A_230, %slice3A_229 : vector<96x6144xf32>
    %add3A_232 = arith.addf %add3A_227, %mul3A_231 : vector<96x6144xf32>
    %slice3A_233 = vector.extract_strided_slice %get3A_138 {offsets = [0, 5], sizes = [96, 1], strides = [1, 1]} : vector<96x9xf32> to vector<96x1xf32>
    %slice3A_234 = vector.extract_strided_slice %mul3A_205 {offsets = [0, 384], sizes = [96, 6144], strides = [1, 1]} : vector<96x6912xf32> to vector<96x6144xf32>
    %mul3A_235 = vector.broadcast %slice3A_233 : vector<96x1xf32> to vector<96x6144xf32>
    %mul3A_236 = arith.mulf %mul3A_235, %slice3A_234 : vector<96x6144xf32>
    %add3A_237 = arith.addf %add3A_232, %mul3A_236 : vector<96x6144xf32>
    %slice3A_238 = vector.extract_strided_slice %get3A_138 {offsets = [0, 6], sizes = [96, 1], strides = [1, 1]} : vector<96x9xf32> to vector<96x1xf32>
    %slice3A_239 = vector.extract_strided_slice %mul3A_196 {offsets = [0, 768], sizes = [96, 6144], strides = [1, 1]} : vector<96x6912xf32> to vector<96x6144xf32>
    %mul3A_240 = vector.broadcast %slice3A_238 : vector<96x1xf32> to vector<96x6144xf32>
    %mul3A_241 = arith.mulf %mul3A_240, %slice3A_239 : vector<96x6144xf32>
    %add3A_242 = arith.addf %add3A_237, %mul3A_241 : vector<96x6144xf32>
    %slice3A_243 = vector.extract_strided_slice %get3A_138 {offsets = [0, 7], sizes = [96, 1], strides = [1, 1]} : vector<96x9xf32> to vector<96x1xf32>
    %slice3A_244 = vector.extract_strided_slice %convert_element_type3A_162 {offsets = [0, 768], sizes = [96, 6144], strides = [1, 1]} : vector<96x6912xf32> to vector<96x6144xf32>
    %mul3A_245 = vector.broadcast %slice3A_243 : vector<96x1xf32> to vector<96x6144xf32>
    %mul3A_246 = arith.mulf %mul3A_245, %slice3A_244 : vector<96x6144xf32>
    %add3A_247 = arith.addf %add3A_242, %mul3A_246 : vector<96x6144xf32>
    %slice3A_248 = vector.extract_strided_slice %get3A_138 {offsets = [0, 8], sizes = [96, 1], strides = [1, 1]} : vector<96x9xf32> to vector<96x1xf32>
    %slice3A_249 = vector.extract_strided_slice %mul3A_205 {offsets = [0, 768], sizes = [96, 6144], strides = [1, 1]} : vector<96x6912xf32> to vector<96x6144xf32>
    %mul3A_250 = vector.broadcast %slice3A_248 : vector<96x1xf32> to vector<96x6144xf32>
    %mul3A_251 = arith.mulf %mul3A_250, %slice3A_249 : vector<96x6144xf32>
    %add3A_252 = arith.addf %add3A_247, %mul3A_251 : vector<96x6144xf32>
    %eq3A_253 = arith.constant 0 : i32
    %eq3A_254 = arith.cmpi eq, %arg1, %eq3A_253 : i32
    %convert_element_type3A_255 = arith.extui %eq3A_254 : i1 to i32
    %cond3A = arith.constant 0 : i32
    %cond3A_256 = arith.cmpi ne, %convert_element_type3A_255, %cond3A : i32
    scf.if %cond3A_256 {
      %broadcast_in_dim3A_283 = arith.constant 0.000000e+00 : f32
      %broadcast_in_dim3A_284 = vector.broadcast %broadcast_in_dim3A_283 : f32 to vector<1x96x1xf32>
      %swap3A_285 = arith.constant 0 : index
      %swap3A_286 = arith.constant 0 : index
      %swap3A_287 = arith.constant 0 : index
      %swap3A_288 = vector.load %arg12[%swap3A_285, %swap3A_286, %swap3A_287] : memref<1x96x1xf32, #tpu.memory_space<vmem>>, vector<1x96x1xf32>
      tpu.vector_store %arg12[%swap3A_285, %swap3A_286, %swap3A_287], %broadcast_in_dim3A_284 {strides = array<i32>} : memref<1x96x1xf32, #tpu.memory_space<vmem>>, vector<1x96x1xf32>,
      %broadcast_in_dim3A_289 = arith.constant 0.000000e+00 : f32
      %broadcast_in_dim3A_290 = vector.broadcast %broadcast_in_dim3A_289 : f32 to vector<1x96x1xf32>
      %swap3A_291 = arith.constant 0 : index
      %swap3A_292 = arith.constant 0 : index
      %swap3A_293 = arith.constant 0 : index
      %swap3A_294 = vector.load %arg13[%swap3A_291, %swap3A_292, %swap3A_293] : memref<1x96x1xf32, #tpu.memory_space<vmem>>, vector<1x96x1xf32>
      tpu.vector_store %arg13[%swap3A_291, %swap3A_292, %swap3A_293], %broadcast_in_dim3A_290 {strides = array<i32>} : memref<1x96x1xf32, #tpu.memory_space<vmem>>, vector<1x96x1xf32>,
    } else {
    }
    %get3A_257 = arith.constant 0 : index
    %get3A_258 = arith.constant 0 : index
    %get3A_259 = arith.constant 0 : index
    %get3A_260 = vector.load %arg12[%get3A_257, %get3A_258, %get3A_259] : memref<1x96x1xf32, #tpu.memory_space<vmem>>, vector<1x96x1xf32>
    %mul3A_261 = arith.mulf %add3A_117, %add3A_117 : vector<96x6144xf32>
    %reduce_sum3A = arith.constant dense<0.000000e+00> : vector<96xf32>
    %reduce_sum3A_262 = vector.multi_reduction <add>, %mul3A_261, %reduce_sum3A [1] : vector<96x6144xf32> to vector<96xf32>
    %broadcast_in_dim3A_263 = vector.shape_cast %reduce_sum3A_262 : vector<96xf32> to vector<96x1xf32>
    %broadcast_in_dim3A_264 = vector.shape_cast %broadcast_in_dim3A_263 : vector<96x1xf32> to vector<1x96x1xf32>
    %add3A_265 = arith.addf %get3A_260, %broadcast_in_dim3A_264 : vector<1x96x1xf32>
    %swap3A = arith.constant 0 : index
    %swap3A_266 = arith.constant 0 : index
    %swap3A_267 = arith.constant 0 : index
    %swap3A_268 = vector.load %arg12[%swap3A, %swap3A_266, %swap3A_267] : memref<1x96x1xf32, #tpu.memory_space<vmem>>, vector<1x96x1xf32>
    tpu.vector_store %arg12[%swap3A, %swap3A_266, %swap3A_267], %add3A_265 {strides = array<i32>} : memref<1x96x1xf32, #tpu.memory_space<vmem>>, vector<1x96x1xf32>,
    %get3A_269 = arith.constant 0 : index
    %get3A_270 = arith.constant 0 : index
    %get3A_271 = arith.constant 0 : index
    %get3A_272 = vector.load %arg13[%get3A_269, %get3A_270, %get3A_271] : memref<1x96x1xf32, #tpu.memory_space<vmem>>, vector<1x96x1xf32>
    %mul3A_273 = arith.mulf %add3A_252, %add3A_252 : vector<96x6144xf32>
    %reduce_sum3A_274 = arith.constant dense<0.000000e+00> : vector<96xf32>
    %reduce_sum3A_275 = vector.multi_reduction <add>, %mul3A_273, %reduce_sum3A_274 [1] : vector<96x6144xf32> to vector<96xf32>
    %broadcast_in_dim3A_276 = vector.shape_cast %reduce_sum3A_275 : vector<96xf32> to vector<96x1xf32>
    %broadcast_in_dim3A_277 = vector.shape_cast %broadcast_in_dim3A_276 : vector<96x1xf32> to vector<1x96x1xf32>
    %add3A_278 = arith.addf %get3A_272, %broadcast_in_dim3A_277 : vector<1x96x1xf32>
    %swap3A_279 = arith.constant 0 : index
    %swap3A_280 = arith.constant 0 : index
    %swap3A_281 = arith.constant 0 : index
    %swap3A_282 = vector.load %arg13[%swap3A_279, %swap3A_280, %swap3A_281] : memref<1x96x1xf32, #tpu.memory_space<vmem>>, vector<1x96x1xf32>
    tpu.vector_store %arg13[%swap3A_279, %swap3A_280, %swap3A_281], %add3A_278 {strides = array<i32>} : memref<1x96x1xf32, #tpu.memory_space<vmem>>, vector<1x96x1xf32>,
    return
  }
  func.func @transform_0(%arg0: i32, %arg1: i32) -> (i32, i32, i32) {
    %c0_i32 = arith.constant 0 : i32
    %c0_i32_0 = arith.constant 0 : i32
    return %arg0, %c0_i32, %arg1 : i32, i32, i32
  }
  func.func @transform_1(%arg0: i32, %arg1: i32) -> (i32, i32, i32) {
    %mul3A = arith.constant 16 : i32
    %mul3A_0 = arith.muli %arg1, %mul3A : i32
    %sub3A = arith.constant 1 : i32
    %sub3A_1 = arith.subi %mul3A_0, %sub3A : i32
    %max3A = arith.constant 0 : i32
    %max3A_2 = arith.maxsi %sub3A_1, %max3A : i32
    %c0_i32 = arith.constant 0 : i32
    %c0_i32_3 = arith.constant 0 : i32
    return %arg0, %c0_i32, %max3A_2 : i32, i32, i32
  }
  func.func @transform_2(%arg0: i32, %arg1: i32) -> (i32, i32, i32) {
    %mul3A = arith.constant 16 : i32
    %mul3A_0 = arith.muli %arg1, %mul3A : i32
    %add3A = arith.constant 16 : i32
    %add3A_1 = arith.addi %mul3A_0, %add3A : i32
    %min3A = arith.constant 383 : i32
    %min3A_2 = arith.minsi %add3A_1, %min3A : i32
    %c0_i32 = arith.constant 0 : i32
    %c0_i32_3 = arith.constant 0 : i32
    return %arg0, %c0_i32, %min3A_2 : i32, i32, i32
  }
  func.func @transform_3(%arg0: i32, %arg1: i32) -> (i32, i32, i32) {
    %c0_i32 = arith.constant 0 : i32
    %c0_i32_0 = arith.constant 0 : i32
    return %arg0, %c0_i32, %arg1 : i32, i32, i32
  }
  func.func @transform_4(%arg0: i32, %arg1: i32) -> (i32, i32, i32) {
    %mul3A = arith.constant 16 : i32
    %mul3A_0 = arith.muli %arg1, %mul3A : i32
    %sub3A = arith.constant 1 : i32
    %sub3A_1 = arith.subi %mul3A_0, %sub3A : i32
    %max3A = arith.constant 0 : i32
    %max3A_2 = arith.maxsi %sub3A_1, %max3A : i32
    %c0_i32 = arith.constant 0 : i32
    %c0_i32_3 = arith.constant 0 : i32
    return %arg0, %c0_i32, %max3A_2 : i32, i32, i32
  }
  func.func @transform_5(%arg0: i32, %arg1: i32) -> (i32, i32, i32) {
    %mul3A = arith.constant 16 : i32
    %mul3A_0 = arith.muli %arg1, %mul3A : i32
    %add3A = arith.constant 16 : i32
    %add3A_1 = arith.addi %mul3A_0, %add3A : i32
    %min3A = arith.constant 383 : i32
    %min3A_2 = arith.minsi %add3A_1, %min3A : i32
    %c0_i32 = arith.constant 0 : i32
    %c0_i32_3 = arith.constant 0 : i32
    return %arg0, %c0_i32, %min3A_2 : i32, i32, i32
  }
  func.func @transform_6(%arg0: i32, %arg1: i32) -> (i32, i32) {
    %c0_i32 = arith.constant 0 : i32
    %c0_i32_0 = arith.constant 0 : i32
    %c0_i32_1 = arith.constant 0 : i32
    return %c0_i32, %c0_i32_0 : i32, i32
  }
  func.func @transform_7(%arg0: i32, %arg1: i32) -> (i32, i32) {
    %c0_i32 = arith.constant 0 : i32
    %c0_i32_0 = arith.constant 0 : i32
    %c0_i32_1 = arith.constant 0 : i32
    return %c0_i32, %c0_i32_0 : i32, i32
  }
  func.func @transform_8(%arg0: i32, %arg1: i32) -> (i32, i32) {
    %c0_i32 = arith.constant 0 : i32
    %c0_i32_0 = arith.constant 0 : i32
    %c0_i32_1 = arith.constant 0 : i32
    return %c0_i32, %c0_i32_0 : i32, i32
  }
  func.func @transform_9(%arg0: i32, %arg1: i32) -> (i32, i32) {
    %c0_i32 = arith.constant 0 : i32
    %c0_i32_0 = arith.constant 0 : i32
    %c0_i32_1 = arith.constant 0 : i32
    return %c0_i32, %c0_i32_0 : i32, i32
  }
  func.func @transform_10(%arg0: i32, %arg1: i32) -> (i32, i32, i32) {
    %c0_i32 = arith.constant 0 : i32
    %c0_i32_0 = arith.constant 0 : i32
    %c0_i32_1 = arith.constant 0 : i32
    return %arg0, %c0_i32, %c0_i32_0 : i32, i32, i32
  }
  func.func @transform_11(%arg0: i32, %arg1: i32) -> (i32, i32, i32) {
    %c0_i32 = arith.constant 0 : i32
    %c0_i32_0 = arith.constant 0 : i32
    %c0_i32_1 = arith.constant 0 : i32
    return %arg0, %c0_i32, %c0_i32_0 : i32, i32, i32
  }
}

module attributes {stable_mosaic.version = 14 : i64} {
  func.func @body(%arg0: i32, %arg1: memref<1x96x24xf32, #tpu.memory_space<vmem>>, %arg2: memref<96x1xf32, #tpu.memory_space<vmem>>, %arg3: memref<1x96x24xf32, #tpu.memory_space<vmem>>) attributes {dimension_semantics = [#tpu.dimension_semantics<arbitrary>], iteration_bounds = array<i64: 2>, scalar_prefetch = 0 : i64, scratch_operands = 0 : i64, tpu.core_type = #tpu.core_type<tc>, window_params = [{transform_indices = @transform_0, window_bounds = array<i64: 1, 96, 24>}, {pipeline_mode = #tpu.pipeline_mode<synchronous>, transform_indices = @transform_1, window_bounds = array<i64: 96, 1>}, {transform_indices = @transform_2, window_bounds = array<i64: 1, 96, 24>}]} {
    %get3A = arith.constant 0 : index
    %get3A_0 = arith.constant 0 : index
    %get3A_1 = arith.constant 0 : index
    %get3A_2 = vector.load %arg1[%get3A, %get3A_0, %get3A_1] : memref<1x96x24xf32, #tpu.memory_space<vmem>>, vector<1x96x24xf32>
    %get3A_3 = vector.shape_cast %get3A_2 : vector<1x96x24xf32> to vector<96x24xf32>
    %get3A_4 = arith.constant 0 : index
    %get3A_5 = arith.constant 0 : index
    %get3A_6 = vector.load %arg2[%get3A_4, %get3A_5] : memref<96x1xf32, #tpu.memory_space<vmem>>, vector<96x1xf32>
    %mul3A = vector.broadcast %get3A_6 : vector<96x1xf32> to vector<96x24xf32>
    %mul3A_7 = arith.mulf %get3A_3, %mul3A : vector<96x24xf32>
    %iota3A = tpu.iota {dimensions = array<i32: 1>} : vector<96x24xi32>
    %broadcast_in_dim3A = arith.constant false
    %broadcast_in_dim3A_8 = vector.broadcast %broadcast_in_dim3A : i1 to vector<96x24xi1>
    %reduce_min3A = arith.constant dense<0x7F800000> : vector<96xf32>
    %reduce_min3A_9 = vector.multi_reduction <minimumf>, %mul3A_7, %reduce_min3A [1] : vector<96x24xf32> to vector<96xf32>
    %broadcast_in_dim3A_10 = vector.shape_cast %reduce_min3A_9 : vector<96xf32> to vector<96x1xf32>
    %eq3A = vector.broadcast %broadcast_in_dim3A_10 : vector<96x1xf32> to vector<96x24xf32>
    %eq3A_11 = arith.cmpf oeq, %mul3A_7, %eq3A : vector<96x24xf32>
    %jit3A = arith.constant -1 : i32
    %broadcast_in_dim3A_12 = vector.broadcast %jit3A : i32 to vector<96x24xi32>
    %select_n3A = arith.select %eq3A_11, %iota3A, %broadcast_in_dim3A_12 : vector<96x24xi1>, vector<96x24xi32>
    %reduce_max3A = arith.constant dense<-2147483648> : vector<96xi32>
    %reduce_max3A_13 = vector.multi_reduction <maxsi>, %select_n3A, %reduce_max3A [1] : vector<96x24xi32> to vector<96xi32>
    %broadcast_in_dim3A_14 = vector.shape_cast %reduce_max3A_13 : vector<96xi32> to vector<96x1xi32>
    %eq3A_15 = vector.broadcast %broadcast_in_dim3A_14 : vector<96x1xi32> to vector<96x24xi32>
    %eq3A_16 = arith.cmpi eq, %iota3A, %eq3A_15 : vector<96x24xi32>
    %or3A = arith.ori %broadcast_in_dim3A_8, %eq3A_16 : vector<96x24xi1>
    %jit3A_17 = arith.constant 3.000000e+38 : f32
    %broadcast_in_dim3A_18 = vector.broadcast %jit3A_17 : f32 to vector<96x24xf32>
    %select_n3A_19 = arith.select %eq3A_16, %broadcast_in_dim3A_18, %mul3A_7 : vector<96x24xi1>, vector<96x24xf32>
    %reduce_min3A_20 = arith.constant dense<0x7F800000> : vector<96xf32>
    %reduce_min3A_21 = vector.multi_reduction <minimumf>, %select_n3A_19, %reduce_min3A_20 [1] : vector<96x24xf32> to vector<96xf32>
    %broadcast_in_dim3A_22 = vector.shape_cast %reduce_min3A_21 : vector<96xf32> to vector<96x1xf32>
    %eq3A_23 = vector.broadcast %broadcast_in_dim3A_22 : vector<96x1xf32> to vector<96x24xf32>
    %eq3A_24 = arith.cmpf oeq, %select_n3A_19, %eq3A_23 : vector<96x24xf32>
    %jit3A_25 = arith.constant -1 : i32
    %broadcast_in_dim3A_26 = vector.broadcast %jit3A_25 : i32 to vector<96x24xi32>
    %select_n3A_27 = arith.select %eq3A_24, %iota3A, %broadcast_in_dim3A_26 : vector<96x24xi1>, vector<96x24xi32>
    %reduce_max3A_28 = arith.constant dense<-2147483648> : vector<96xi32>
    %reduce_max3A_29 = vector.multi_reduction <maxsi>, %select_n3A_27, %reduce_max3A_28 [1] : vector<96x24xi32> to vector<96xi32>
    %broadcast_in_dim3A_30 = vector.shape_cast %reduce_max3A_29 : vector<96xi32> to vector<96x1xi32>
    %eq3A_31 = vector.broadcast %broadcast_in_dim3A_30 : vector<96x1xi32> to vector<96x24xi32>
    %eq3A_32 = arith.cmpi eq, %iota3A, %eq3A_31 : vector<96x24xi32>
    %or3A_33 = arith.ori %or3A, %eq3A_32 : vector<96x24xi1>
    %jit3A_34 = arith.constant 3.000000e+38 : f32
    %broadcast_in_dim3A_35 = vector.broadcast %jit3A_34 : f32 to vector<96x24xf32>
    %select_n3A_36 = arith.select %eq3A_32, %broadcast_in_dim3A_35, %select_n3A_19 : vector<96x24xi1>, vector<96x24xf32>
    %reduce_min3A_37 = arith.constant dense<0x7F800000> : vector<96xf32>
    %reduce_min3A_38 = vector.multi_reduction <minimumf>, %select_n3A_36, %reduce_min3A_37 [1] : vector<96x24xf32> to vector<96xf32>
    %broadcast_in_dim3A_39 = vector.shape_cast %reduce_min3A_38 : vector<96xf32> to vector<96x1xf32>
    %eq3A_40 = vector.broadcast %broadcast_in_dim3A_39 : vector<96x1xf32> to vector<96x24xf32>
    %eq3A_41 = arith.cmpf oeq, %select_n3A_36, %eq3A_40 : vector<96x24xf32>
    %jit3A_42 = arith.constant -1 : i32
    %broadcast_in_dim3A_43 = vector.broadcast %jit3A_42 : i32 to vector<96x24xi32>
    %select_n3A_44 = arith.select %eq3A_41, %iota3A, %broadcast_in_dim3A_43 : vector<96x24xi1>, vector<96x24xi32>
    %reduce_max3A_45 = arith.constant dense<-2147483648> : vector<96xi32>
    %reduce_max3A_46 = vector.multi_reduction <maxsi>, %select_n3A_44, %reduce_max3A_45 [1] : vector<96x24xi32> to vector<96xi32>
    %broadcast_in_dim3A_47 = vector.shape_cast %reduce_max3A_46 : vector<96xi32> to vector<96x1xi32>
    %eq3A_48 = vector.broadcast %broadcast_in_dim3A_47 : vector<96x1xi32> to vector<96x24xi32>
    %eq3A_49 = arith.cmpi eq, %iota3A, %eq3A_48 : vector<96x24xi32>
    %or3A_50 = arith.ori %or3A_33, %eq3A_49 : vector<96x24xi1>
    %not3A = arith.constant dense<true> : vector<96x24xi1>
    %not3A_51 = arith.xori %or3A_50, %not3A : vector<96x24xi1>
    %neg3A = arith.constant 0.000000e+00 : f32
    %neg3A_52 = arith.constant 3.000000e+38 : f32
    %neg3A_53 = arith.subf %neg3A, %neg3A_52 : f32
    %broadcast_in_dim3A_54 = vector.broadcast %neg3A_53 : f32 to vector<96x24xf32>
    %select_n3A_55 = arith.select %not3A_51, %mul3A_7, %broadcast_in_dim3A_54 : vector<96x24xi1>, vector<96x24xf32>
    %reduce_max3A_56 = arith.constant dense<0xFF800000> : vector<96xf32>
    %reduce_max3A_57 = vector.multi_reduction <maximumf>, %select_n3A_55, %reduce_max3A_56 [1] : vector<96x24xf32> to vector<96xf32>
    %broadcast_in_dim3A_58 = vector.shape_cast %reduce_max3A_57 : vector<96xf32> to vector<96x1xf32>
    %sub3A = vector.broadcast %broadcast_in_dim3A_58 : vector<96x1xf32> to vector<96x24xf32>
    %sub3A_59 = arith.subf %mul3A_7, %sub3A : vector<96x24xf32>
    %exp3A = math.exp %sub3A_59 : vector<96x24xf32>
    %jit3A_60 = arith.constant 0.000000e+00 : f32
    %broadcast_in_dim3A_61 = vector.broadcast %jit3A_60 : f32 to vector<96x24xf32>
    %select_n3A_62 = arith.select %not3A_51, %exp3A, %broadcast_in_dim3A_61 : vector<96x24xi1>, vector<96x24xf32>
    %reduce_sum3A = arith.constant dense<0.000000e+00> : vector<96xf32>
    %reduce_sum3A_63 = vector.multi_reduction <add>, %select_n3A_62, %reduce_sum3A [1] : vector<96x24xf32> to vector<96xf32>
    %broadcast_in_dim3A_64 = vector.shape_cast %reduce_sum3A_63 : vector<96xf32> to vector<96x1xf32>
    %div3A = vector.broadcast %broadcast_in_dim3A_64 : vector<96x1xf32> to vector<96x24xf32>
    %div3A_65 = arith.divf %select_n3A_62, %div3A : vector<96x24xf32>
    %broadcast_in_dim3A_66 = vector.shape_cast %div3A_65 : vector<96x24xf32> to vector<1x96x24xf32>
    %swap3A = arith.constant 0 : index
    %swap3A_67 = arith.constant 0 : index
    %swap3A_68 = arith.constant 0 : index
    %swap3A_69 = vector.load %arg3[%swap3A, %swap3A_67, %swap3A_68] : memref<1x96x24xf32, #tpu.memory_space<vmem>>, vector<1x96x24xf32>
    tpu.vector_store %arg3[%swap3A, %swap3A_67, %swap3A_68], %broadcast_in_dim3A_66 {strides = array<i32>} : memref<1x96x24xf32, #tpu.memory_space<vmem>>, vector<1x96x24xf32>,
    return
  }
  func.func @transform_0(%arg0: i32) -> (i32, i32, i32) {
    %c0_i32 = arith.constant 0 : i32
    %c0_i32_0 = arith.constant 0 : i32
    %c0_i32_1 = arith.constant 0 : i32
    return %arg0, %c0_i32, %c0_i32_0 : i32, i32, i32
  }
  func.func @transform_1(%arg0: i32) -> (i32, i32) {
    %c0_i32 = arith.constant 0 : i32
    %c0_i32_0 = arith.constant 0 : i32
    %c0_i32_1 = arith.constant 0 : i32
    return %c0_i32, %c0_i32_0 : i32, i32
  }
  func.func @transform_2(%arg0: i32) -> (i32, i32, i32) {
    %c0_i32 = arith.constant 0 : i32
    %c0_i32_0 = arith.constant 0 : i32
    %c0_i32_1 = arith.constant 0 : i32
    return %arg0, %c0_i32, %c0_i32_0 : i32, i32, i32
  }
}

module attributes {stable_mosaic.version = 14 : i64} {
  func.func @body(%arg0: i32, %arg1: i32, %arg2: memref<1x96x6144xf32, #tpu.memory_space<vmem>>, %arg3: memref<1x96x384xf32, #tpu.memory_space<vmem>>, %arg4: memref<1x96x384xf32, #tpu.memory_space<vmem>>, %arg5: memref<1x96x6144xf32, #tpu.memory_space<vmem>>, %arg6: memref<1x96x384xf32, #tpu.memory_space<vmem>>, %arg7: memref<1x96x384xf32, #tpu.memory_space<vmem>>, %arg8: memref<96x96xbf16, #tpu.memory_space<vmem>>, %arg9: memref<96x9xf32, #tpu.memory_space<vmem>>, %arg10: memref<96x96xbf16, #tpu.memory_space<vmem>>, %arg11: memref<96x9xf32, #tpu.memory_space<vmem>>, %arg12: memref<1x96x1xf32, #tpu.memory_space<vmem>>, %arg13: memref<1x96x1xf32, #tpu.memory_space<vmem>>, %arg14: memref<1x96x24xf32, #tpu.memory_space<vmem>>) attributes {dimension_semantics = [#tpu.dimension_semantics<parallel>, #tpu.dimension_semantics<arbitrary>], iteration_bounds = array<i64: 2, 24>, scalar_prefetch = 0 : i64, scratch_operands = 0 : i64, tpu.core_type = #tpu.core_type<tc>, window_params = [{transform_indices = @transform_0, window_bounds = array<i64: 1, 96, 6144>}, {transform_indices = @transform_1, window_bounds = array<i64: 1, 96, 384>}, {transform_indices = @transform_2, window_bounds = array<i64: 1, 96, 384>}, {transform_indices = @transform_3, window_bounds = array<i64: 1, 96, 6144>}, {transform_indices = @transform_4, window_bounds = array<i64: 1, 96, 384>}, {transform_indices = @transform_5, window_bounds = array<i64: 1, 96, 384>}, {pipeline_mode = #tpu.pipeline_mode<synchronous>, transform_indices = @transform_6, window_bounds = array<i64: 96, 96>}, {pipeline_mode = #tpu.pipeline_mode<synchronous>, transform_indices = @transform_7, window_bounds = array<i64: 96, 9>}, {pipeline_mode = #tpu.pipeline_mode<synchronous>, transform_indices = @transform_8, window_bounds = array<i64: 96, 96>}, {pipeline_mode = #tpu.pipeline_mode<synchronous>, transform_indices = @transform_9, window_bounds = array<i64: 96, 9>}, {transform_indices = @transform_10, window_bounds = array<i64: 1, 96, 1>}, {transform_indices = @transform_11, window_bounds = array<i64: 1, 96, 1>}, {transform_indices = @transform_12, window_bounds = array<i64: 1, 96, 24>}]} {
    %get3A = arith.constant 0 : index
    %get3A_0 = arith.constant 0 : index
    %get3A_1 = arith.constant 0 : index
    %get3A_2 = vector.load %arg2[%get3A, %get3A_0, %get3A_1] : memref<1x96x6144xf32, #tpu.memory_space<vmem>>, vector<1x96x6144xf32>
    %get3A_3 = vector.shape_cast %get3A_2 : vector<1x96x6144xf32> to vector<96x6144xf32>
    %get3A_4 = arith.constant 0 : index
    %get3A_5 = arith.constant 0 : index
    %get3A_6 = arith.constant 0 : index
    %get3A_7 = vector.load %arg3[%get3A_4, %get3A_5, %get3A_6] : memref<1x96x384xf32, #tpu.memory_space<vmem>>, vector<1x96x384xf32>
    %get3A_8 = vector.shape_cast %get3A_7 : vector<1x96x384xf32> to vector<96x384xf32>
    %get3A_9 = arith.constant 0 : index
    %get3A_10 = arith.constant 0 : index
    %get3A_11 = arith.constant 0 : index
    %get3A_12 = vector.load %arg4[%get3A_9, %get3A_10, %get3A_11] : memref<1x96x384xf32, #tpu.memory_space<vmem>>, vector<1x96x384xf32>
    %get3A_13 = vector.shape_cast %get3A_12 : vector<1x96x384xf32> to vector<96x384xf32>
    %get3A_14 = arith.constant 0 : index
    %get3A_15 = arith.constant 0 : index
    %get3A_16 = vector.load %arg8[%get3A_14, %get3A_15] : memref<96x96xbf16, #tpu.memory_space<vmem>>, vector<96x96xbf16>
    %get3A_17 = arith.constant 0 : index
    %get3A_18 = arith.constant 0 : index
    %get3A_19 = vector.load %arg9[%get3A_17, %get3A_18] : memref<96x9xf32, #tpu.memory_space<vmem>>, vector<96x9xf32>
    %convert_element_type3A = arith.truncf %get3A_3 : vector<96x6144xf32> to vector<96x6144xbf16>
    %dot_general3A = arith.constant dense<0.000000e+00> : vector<96x6144xf32>
    %dot_general3A_20 = tpu.matmul %get3A_16, %convert_element_type3A, %dot_general3A {dimension_numbers = #tpu.dot_dimension_numbers<[1], [0], [0], [1], [0, 0, 1, 1], [], []>, transpose_lhs_hint = false} : vector<96x96xbf16>, vector<96x6144xbf16>, vector<96x6144xf32> -> vector<96x6144xf32>
    %convert_element_type3A_21 = arith.truncf %get3A_8 : vector<96x384xf32> to vector<96x384xbf16>
    %dot_general3A_22 = arith.constant dense<0.000000e+00> : vector<96x384xf32>
    %dot_general3A_23 = tpu.matmul %get3A_16, %convert_element_type3A_21, %dot_general3A_22 {dimension_numbers = #tpu.dot_dimension_numbers<[1], [0], [0], [1], [0, 0, 1, 1], [], []>, transpose_lhs_hint = false} : vector<96x96xbf16>, vector<96x384xbf16>, vector<96x384xf32> -> vector<96x384xf32>
    %convert_element_type3A_24 = arith.truncf %get3A_13 : vector<96x384xf32> to vector<96x384xbf16>
    %dot_general3A_25 = arith.constant dense<0.000000e+00> : vector<96x384xf32>
    %dot_general3A_26 = tpu.matmul %get3A_16, %convert_element_type3A_24, %dot_general3A_25 {dimension_numbers = #tpu.dot_dimension_numbers<[1], [0], [0], [1], [0, 0, 1, 1], [], []>, transpose_lhs_hint = false} : vector<96x96xbf16>, vector<96x384xbf16>, vector<96x384xf32> -> vector<96x384xf32>
    %gt3A = arith.constant 0 : i32
    %gt3A_27 = arith.cmpi sgt, %arg1, %gt3A : i32
    %convert_element_type3A_28 = arith.extui %gt3A_27 : i1 to i32
    %convert_element_type3A_29 = arith.sitofp %convert_element_type3A_28 : i32 to f32
    %lt3A = arith.constant 23 : i32
    %lt3A_30 = arith.cmpi slt, %arg1, %lt3A : i32
    %convert_element_type3A_31 = arith.extui %lt3A_30 : i1 to i32
    %convert_element_type3A_32 = arith.sitofp %convert_element_type3A_31 : i32 to f32
    %mul3A = vector.broadcast %convert_element_type3A_29 : f32 to vector<96x384xf32>
    %mul3A_33 = arith.mulf %dot_general3A_23, %mul3A : vector<96x384xf32>
    %mul3A_34 = vector.broadcast %convert_element_type3A_32 : f32 to vector<96x384xf32>
    %mul3A_35 = arith.mulf %dot_general3A_26, %mul3A_34 : vector<96x384xf32>
    %concatenate3A = tpu.concatenate %mul3A_33, %dot_general3A_20, %mul3A_35 in 1 : vector<96x384xf32>, vector<96x6144xf32>, vector<96x384xf32> -> vector<96x6912xf32>
    %convert_element_type3A_36 = arith.truncf %concatenate3A : vector<96x6912xf32> to vector<96x6912xbf16>
    %convert_element_type3A_37 = arith.extf %convert_element_type3A_36 : vector<96x6912xbf16> to vector<96x6912xf32>
    %broadcast_in_dim3A = arith.constant 0.000000e+00 : f32
    %broadcast_in_dim3A_38 = vector.broadcast %broadcast_in_dim3A : f32 to vector<96x1xf32>
    %iota3A = tpu.iota {dimensions = array<i32: 1>} : vector<1x6912xi32>
    %jit3A = arith.constant 384 : i32
    %eq3A = arith.constant 0 : i32
    %eq3A_39 = arith.cmpi eq, %jit3A, %eq3A : i32
    %jit3A_40 = arith.constant 1 : i32
    %select_n3A = arith.select %eq3A_39, %jit3A_40, %jit3A : i32
    %rem3A = vector.broadcast %select_n3A : i32 to vector<1x6912xi32>
    %rem3A_41 = arith.remsi %iota3A, %rem3A : vector<1x6912xi32>
    %ne3A = arith.constant 0 : i32
    %ne3A_42 = vector.broadcast %ne3A : i32 to vector<1x6912xi32>
    %ne3A_43 = arith.cmpi ne, %rem3A_41, %ne3A_42 : vector<1x6912xi32>
    %lt3A_44 = arith.constant 0 : i32
    %lt3A_45 = vector.broadcast %lt3A_44 : i32 to vector<1x6912xi32>
    %lt3A_46 = arith.cmpi slt, %rem3A_41, %lt3A_45 : vector<1x6912xi32>
    %lt3A_47 = arith.constant 0 : i32
    %lt3A_48 = arith.cmpi slt, %select_n3A, %lt3A_47 : i32
    %ne3A_49 = vector.broadcast %lt3A_48 : i1 to vector<1x6912xi1>
    %ne3A_50 = vector.broadcast %ne3A_49 : vector<1x6912xi1> to vector<1x6912xi1>
    %ne3A_51 = arith.xori %lt3A_46, %ne3A_50 : vector<1x6912xi1>
    %and3A = arith.andi %ne3A_51, %ne3A_43 : vector<1x6912xi1>
    %add3A = vector.broadcast %select_n3A : i32 to vector<1x6912xi32>
    %add3A_52 = arith.addi %rem3A_41, %add3A : vector<1x6912xi32>
    %select_n3A_53 = arith.select %and3A, %add3A_52, %rem3A_41 : vector<1x6912xi1>, vector<1x6912xi32>
    %slice3A = vector.extract_strided_slice %convert_element_type3A_37 {offsets = [0, 0], sizes = [96, 6911], strides = [1, 1]} : vector<96x6912xf32> to vector<96x6911xf32>
    %concatenate3A_54 = tpu.concatenate %broadcast_in_dim3A_38, %slice3A in 1 : vector<96x1xf32>, vector<96x6911xf32> -> vector<96x6912xf32>
    %ne3A_55 = arith.constant 0 : i32
    %ne3A_56 = vector.broadcast %ne3A_55 : i32 to vector<1x6912xi32>
    %ne3A_57 = arith.cmpi ne, %select_n3A_53, %ne3A_56 : vector<1x6912xi32>
    %convert_element_type3A_58 = arith.extui %ne3A_57 : vector<1x6912xi1> to vector<1x6912xi32>
    %convert_element_type3A_59 = arith.sitofp %convert_element_type3A_58 : vector<1x6912xi32> to vector<1x6912xf32>
    %mul3A_60 = vector.broadcast %convert_element_type3A_59 : vector<1x6912xf32> to vector<96x6912xf32>
    %mul3A_61 = arith.mulf %concatenate3A_54, %mul3A_60 : vector<96x6912xf32>
    %slice3A_62 = vector.extract_strided_slice %convert_element_type3A_37 {offsets = [0, 1], sizes = [96, 6911], strides = [1, 1]} : vector<96x6912xf32> to vector<96x6911xf32>
    %concatenate3A_63 = tpu.concatenate %slice3A_62, %broadcast_in_dim3A_38 in 1 : vector<96x6911xf32>, vector<96x1xf32> -> vector<96x6912xf32>
    %ne3A_64 = arith.constant 383 : i32
    %ne3A_65 = vector.broadcast %ne3A_64 : i32 to vector<1x6912xi32>
    %ne3A_66 = arith.cmpi ne, %select_n3A_53, %ne3A_65 : vector<1x6912xi32>
    %convert_element_type3A_67 = arith.extui %ne3A_66 : vector<1x6912xi1> to vector<1x6912xi32>
    %convert_element_type3A_68 = arith.sitofp %convert_element_type3A_67 : vector<1x6912xi32> to vector<1x6912xf32>
    %mul3A_69 = vector.broadcast %convert_element_type3A_68 : vector<1x6912xf32> to vector<96x6912xf32>
    %mul3A_70 = arith.mulf %concatenate3A_63, %mul3A_69 : vector<96x6912xf32>
    %broadcast_in_dim3A_71 = arith.constant 0.000000e+00 : f32
    %broadcast_in_dim3A_72 = vector.broadcast %broadcast_in_dim3A_71 : f32 to vector<96x6144xf32>
    %slice3A_73 = vector.extract_strided_slice %get3A_19 {offsets = [0, 0], sizes = [96, 1], strides = [1, 1]} : vector<96x9xf32> to vector<96x1xf32>
    %slice3A_74 = vector.extract_strided_slice %mul3A_61 {offsets = [0, 0], sizes = [96, 6144], strides = [1, 1]} : vector<96x6912xf32> to vector<96x6144xf32>
    %mul3A_75 = vector.broadcast %slice3A_73 : vector<96x1xf32> to vector<96x6144xf32>
    %mul3A_76 = arith.mulf %mul3A_75, %slice3A_74 : vector<96x6144xf32>
    %add3A_77 = arith.addf %broadcast_in_dim3A_72, %mul3A_76 : vector<96x6144xf32>
    %slice3A_78 = vector.extract_strided_slice %get3A_19 {offsets = [0, 1], sizes = [96, 1], strides = [1, 1]} : vector<96x9xf32> to vector<96x1xf32>
    %slice3A_79 = vector.extract_strided_slice %convert_element_type3A_37 {offsets = [0, 0], sizes = [96, 6144], strides = [1, 1]} : vector<96x6912xf32> to vector<96x6144xf32>
    %mul3A_80 = vector.broadcast %slice3A_78 : vector<96x1xf32> to vector<96x6144xf32>
    %mul3A_81 = arith.mulf %mul3A_80, %slice3A_79 : vector<96x6144xf32>
    %add3A_82 = arith.addf %add3A_77, %mul3A_81 : vector<96x6144xf32>
    %slice3A_83 = vector.extract_strided_slice %get3A_19 {offsets = [0, 2], sizes = [96, 1], strides = [1, 1]} : vector<96x9xf32> to vector<96x1xf32>
    %slice3A_84 = vector.extract_strided_slice %mul3A_70 {offsets = [0, 0], sizes = [96, 6144], strides = [1, 1]} : vector<96x6912xf32> to vector<96x6144xf32>
    %mul3A_85 = vector.broadcast %slice3A_83 : vector<96x1xf32> to vector<96x6144xf32>
    %mul3A_86 = arith.mulf %mul3A_85, %slice3A_84 : vector<96x6144xf32>
    %add3A_87 = arith.addf %add3A_82, %mul3A_86 : vector<96x6144xf32>
    %slice3A_88 = vector.extract_strided_slice %get3A_19 {offsets = [0, 3], sizes = [96, 1], strides = [1, 1]} : vector<96x9xf32> to vector<96x1xf32>
    %slice3A_89 = vector.extract_strided_slice %mul3A_61 {offsets = [0, 384], sizes = [96, 6144], strides = [1, 1]} : vector<96x6912xf32> to vector<96x6144xf32>
    %mul3A_90 = vector.broadcast %slice3A_88 : vector<96x1xf32> to vector<96x6144xf32>
    %mul3A_91 = arith.mulf %mul3A_90, %slice3A_89 : vector<96x6144xf32>
    %add3A_92 = arith.addf %add3A_87, %mul3A_91 : vector<96x6144xf32>
    %slice3A_93 = vector.extract_strided_slice %get3A_19 {offsets = [0, 4], sizes = [96, 1], strides = [1, 1]} : vector<96x9xf32> to vector<96x1xf32>
    %slice3A_94 = vector.extract_strided_slice %convert_element_type3A_37 {offsets = [0, 384], sizes = [96, 6144], strides = [1, 1]} : vector<96x6912xf32> to vector<96x6144xf32>
    %mul3A_95 = vector.broadcast %slice3A_93 : vector<96x1xf32> to vector<96x6144xf32>
    %mul3A_96 = arith.mulf %mul3A_95, %slice3A_94 : vector<96x6144xf32>
    %add3A_97 = arith.addf %add3A_92, %mul3A_96 : vector<96x6144xf32>
    %slice3A_98 = vector.extract_strided_slice %get3A_19 {offsets = [0, 5], sizes = [96, 1], strides = [1, 1]} : vector<96x9xf32> to vector<96x1xf32>
    %slice3A_99 = vector.extract_strided_slice %mul3A_70 {offsets = [0, 384], sizes = [96, 6144], strides = [1, 1]} : vector<96x6912xf32> to vector<96x6144xf32>
    %mul3A_100 = vector.broadcast %slice3A_98 : vector<96x1xf32> to vector<96x6144xf32>
    %mul3A_101 = arith.mulf %mul3A_100, %slice3A_99 : vector<96x6144xf32>
    %add3A_102 = arith.addf %add3A_97, %mul3A_101 : vector<96x6144xf32>
    %slice3A_103 = vector.extract_strided_slice %get3A_19 {offsets = [0, 6], sizes = [96, 1], strides = [1, 1]} : vector<96x9xf32> to vector<96x1xf32>
    %slice3A_104 = vector.extract_strided_slice %mul3A_61 {offsets = [0, 768], sizes = [96, 6144], strides = [1, 1]} : vector<96x6912xf32> to vector<96x6144xf32>
    %mul3A_105 = vector.broadcast %slice3A_103 : vector<96x1xf32> to vector<96x6144xf32>
    %mul3A_106 = arith.mulf %mul3A_105, %slice3A_104 : vector<96x6144xf32>
    %add3A_107 = arith.addf %add3A_102, %mul3A_106 : vector<96x6144xf32>
    %slice3A_108 = vector.extract_strided_slice %get3A_19 {offsets = [0, 7], sizes = [96, 1], strides = [1, 1]} : vector<96x9xf32> to vector<96x1xf32>
    %slice3A_109 = vector.extract_strided_slice %convert_element_type3A_37 {offsets = [0, 768], sizes = [96, 6144], strides = [1, 1]} : vector<96x6912xf32> to vector<96x6144xf32>
    %mul3A_110 = vector.broadcast %slice3A_108 : vector<96x1xf32> to vector<96x6144xf32>
    %mul3A_111 = arith.mulf %mul3A_110, %slice3A_109 : vector<96x6144xf32>
    %add3A_112 = arith.addf %add3A_107, %mul3A_111 : vector<96x6144xf32>
    %slice3A_113 = vector.extract_strided_slice %get3A_19 {offsets = [0, 8], sizes = [96, 1], strides = [1, 1]} : vector<96x9xf32> to vector<96x1xf32>
    %slice3A_114 = vector.extract_strided_slice %mul3A_70 {offsets = [0, 768], sizes = [96, 6144], strides = [1, 1]} : vector<96x6912xf32> to vector<96x6144xf32>
    %mul3A_115 = vector.broadcast %slice3A_113 : vector<96x1xf32> to vector<96x6144xf32>
    %mul3A_116 = arith.mulf %mul3A_115, %slice3A_114 : vector<96x6144xf32>
    %add3A_117 = arith.addf %add3A_112, %mul3A_116 : vector<96x6144xf32>
    %get3A_118 = arith.constant 0 : index
    %get3A_119 = arith.constant 0 : index
    %get3A_120 = arith.constant 0 : index
    %get3A_121 = vector.load %arg5[%get3A_118, %get3A_119, %get3A_120] : memref<1x96x6144xf32, #tpu.memory_space<vmem>>, vector<1x96x6144xf32>
    %get3A_122 = vector.shape_cast %get3A_121 : vector<1x96x6144xf32> to vector<96x6144xf32>
    %get3A_123 = arith.constant 0 : index
    %get3A_124 = arith.constant 0 : index
    %get3A_125 = arith.constant 0 : index
    %get3A_126 = vector.load %arg6[%get3A_123, %get3A_124, %get3A_125] : memref<1x96x384xf32, #tpu.memory_space<vmem>>, vector<1x96x384xf32>
    %get3A_127 = vector.shape_cast %get3A_126 : vector<1x96x384xf32> to vector<96x384xf32>
    %get3A_128 = arith.constant 0 : index
    %get3A_129 = arith.constant 0 : index
    %get3A_130 = arith.constant 0 : index
    %get3A_131 = vector.load %arg7[%get3A_128, %get3A_129, %get3A_130] : memref<1x96x384xf32, #tpu.memory_space<vmem>>, vector<1x96x384xf32>
    %get3A_132 = vector.shape_cast %get3A_131 : vector<1x96x384xf32> to vector<96x384xf32>
    %get3A_133 = arith.constant 0 : index
    %get3A_134 = arith.constant 0 : index
    %get3A_135 = vector.load %arg10[%get3A_133, %get3A_134] : memref<96x96xbf16, #tpu.memory_space<vmem>>, vector<96x96xbf16>
    %get3A_136 = arith.constant 0 : index
    %get3A_137 = arith.constant 0 : index
    %get3A_138 = vector.load %arg11[%get3A_136, %get3A_137] : memref<96x9xf32, #tpu.memory_space<vmem>>, vector<96x9xf32>
    %convert_element_type3A_139 = arith.truncf %get3A_122 : vector<96x6144xf32> to vector<96x6144xbf16>
    %dot_general3A_140 = arith.constant dense<0.000000e+00> : vector<96x6144xf32>
    %dot_general3A_141 = tpu.matmul %get3A_135, %convert_element_type3A_139, %dot_general3A_140 {dimension_numbers = #tpu.dot_dimension_numbers<[1], [0], [0], [1], [0, 0, 1, 1], [], []>, transpose_lhs_hint = false} : vector<96x96xbf16>, vector<96x6144xbf16>, vector<96x6144xf32> -> vector<96x6144xf32>
    %convert_element_type3A_142 = arith.truncf %get3A_127 : vector<96x384xf32> to vector<96x384xbf16>
    %dot_general3A_143 = arith.constant dense<0.000000e+00> : vector<96x384xf32>
    %dot_general3A_144 = tpu.matmul %get3A_135, %convert_element_type3A_142, %dot_general3A_143 {dimension_numbers = #tpu.dot_dimension_numbers<[1], [0], [0], [1], [0, 0, 1, 1], [], []>, transpose_lhs_hint = false} : vector<96x96xbf16>, vector<96x384xbf16>, vector<96x384xf32> -> vector<96x384xf32>
    %convert_element_type3A_145 = arith.truncf %get3A_132 : vector<96x384xf32> to vector<96x384xbf16>
    %dot_general3A_146 = arith.constant dense<0.000000e+00> : vector<96x384xf32>
    %dot_general3A_147 = tpu.matmul %get3A_135, %convert_element_type3A_145, %dot_general3A_146 {dimension_numbers = #tpu.dot_dimension_numbers<[1], [0], [0], [1], [0, 0, 1, 1], [], []>, transpose_lhs_hint = false} : vector<96x96xbf16>, vector<96x384xbf16>, vector<96x384xf32> -> vector<96x384xf32>
    %gt3A_148 = arith.constant 0 : i32
    %gt3A_149 = arith.cmpi sgt, %arg1, %gt3A_148 : i32
    %convert_element_type3A_150 = arith.extui %gt3A_149 : i1 to i32
    %convert_element_type3A_151 = arith.sitofp %convert_element_type3A_150 : i32 to f32
    %lt3A_152 = arith.constant 23 : i32
    %lt3A_153 = arith.cmpi slt, %arg1, %lt3A_152 : i32
    %convert_element_type3A_154 = arith.extui %lt3A_153 : i1 to i32
    %convert_element_type3A_155 = arith.sitofp %convert_element_type3A_154 : i32 to f32
    %mul3A_156 = vector.broadcast %convert_element_type3A_151 : f32 to vector<96x384xf32>
    %mul3A_157 = arith.mulf %dot_general3A_144, %mul3A_156 : vector<96x384xf32>
    %mul3A_158 = vector.broadcast %convert_element_type3A_155 : f32 to vector<96x384xf32>
    %mul3A_159 = arith.mulf %dot_general3A_147, %mul3A_158 : vector<96x384xf32>
    %concatenate3A_160 = tpu.concatenate %mul3A_157, %dot_general3A_141, %mul3A_159 in 1 : vector<96x384xf32>, vector<96x6144xf32>, vector<96x384xf32> -> vector<96x6912xf32>
    %convert_element_type3A_161 = arith.truncf %concatenate3A_160 : vector<96x6912xf32> to vector<96x6912xbf16>
    %convert_element_type3A_162 = arith.extf %convert_element_type3A_161 : vector<96x6912xbf16> to vector<96x6912xf32>
    %broadcast_in_dim3A_163 = arith.constant 0.000000e+00 : f32
    %broadcast_in_dim3A_164 = vector.broadcast %broadcast_in_dim3A_163 : f32 to vector<96x1xf32>
    %iota3A_165 = tpu.iota {dimensions = array<i32: 1>} : vector<1x6912xi32>
    %jit3A_166 = arith.constant 384 : i32
    %eq3A_167 = arith.constant 0 : i32
    %eq3A_168 = arith.cmpi eq, %jit3A_166, %eq3A_167 : i32
    %jit3A_169 = arith.constant 1 : i32
    %select_n3A_170 = arith.select %eq3A_168, %jit3A_169, %jit3A_166 : i32
    %rem3A_171 = vector.broadcast %select_n3A_170 : i32 to vector<1x6912xi32>
    %rem3A_172 = arith.remsi %iota3A_165, %rem3A_171 : vector<1x6912xi32>
    %ne3A_173 = arith.constant 0 : i32
    %ne3A_174 = vector.broadcast %ne3A_173 : i32 to vector<1x6912xi32>
    %ne3A_175 = arith.cmpi ne, %rem3A_172, %ne3A_174 : vector<1x6912xi32>
    %lt3A_176 = arith.constant 0 : i32
    %lt3A_177 = vector.broadcast %lt3A_176 : i32 to vector<1x6912xi32>
    %lt3A_178 = arith.cmpi slt, %rem3A_172, %lt3A_177 : vector<1x6912xi32>
    %lt3A_179 = arith.constant 0 : i32
    %lt3A_180 = arith.cmpi slt, %select_n3A_170, %lt3A_179 : i32
    %ne3A_181 = vector.broadcast %lt3A_180 : i1 to vector<1x6912xi1>
    %ne3A_182 = vector.broadcast %ne3A_181 : vector<1x6912xi1> to vector<1x6912xi1>
    %ne3A_183 = arith.xori %lt3A_178, %ne3A_182 : vector<1x6912xi1>
    %and3A_184 = arith.andi %ne3A_183, %ne3A_175 : vector<1x6912xi1>
    %add3A_185 = vector.broadcast %select_n3A_170 : i32 to vector<1x6912xi32>
    %add3A_186 = arith.addi %rem3A_172, %add3A_185 : vector<1x6912xi32>
    %select_n3A_187 = arith.select %and3A_184, %add3A_186, %rem3A_172 : vector<1x6912xi1>, vector<1x6912xi32>
    %slice3A_188 = vector.extract_strided_slice %convert_element_type3A_162 {offsets = [0, 0], sizes = [96, 6911], strides = [1, 1]} : vector<96x6912xf32> to vector<96x6911xf32>
    %concatenate3A_189 = tpu.concatenate %broadcast_in_dim3A_164, %slice3A_188 in 1 : vector<96x1xf32>, vector<96x6911xf32> -> vector<96x6912xf32>
    %ne3A_190 = arith.constant 0 : i32
    %ne3A_191 = vector.broadcast %ne3A_190 : i32 to vector<1x6912xi32>
    %ne3A_192 = arith.cmpi ne, %select_n3A_187, %ne3A_191 : vector<1x6912xi32>
    %convert_element_type3A_193 = arith.extui %ne3A_192 : vector<1x6912xi1> to vector<1x6912xi32>
    %convert_element_type3A_194 = arith.sitofp %convert_element_type3A_193 : vector<1x6912xi32> to vector<1x6912xf32>
    %mul3A_195 = vector.broadcast %convert_element_type3A_194 : vector<1x6912xf32> to vector<96x6912xf32>
    %mul3A_196 = arith.mulf %concatenate3A_189, %mul3A_195 : vector<96x6912xf32>
    %slice3A_197 = vector.extract_strided_slice %convert_element_type3A_162 {offsets = [0, 1], sizes = [96, 6911], strides = [1, 1]} : vector<96x6912xf32> to vector<96x6911xf32>
    %concatenate3A_198 = tpu.concatenate %slice3A_197, %broadcast_in_dim3A_164 in 1 : vector<96x6911xf32>, vector<96x1xf32> -> vector<96x6912xf32>
    %ne3A_199 = arith.constant 383 : i32
    %ne3A_200 = vector.broadcast %ne3A_199 : i32 to vector<1x6912xi32>
    %ne3A_201 = arith.cmpi ne, %select_n3A_187, %ne3A_200 : vector<1x6912xi32>
    %convert_element_type3A_202 = arith.extui %ne3A_201 : vector<1x6912xi1> to vector<1x6912xi32>
    %convert_element_type3A_203 = arith.sitofp %convert_element_type3A_202 : vector<1x6912xi32> to vector<1x6912xf32>
    %mul3A_204 = vector.broadcast %convert_element_type3A_203 : vector<1x6912xf32> to vector<96x6912xf32>
    %mul3A_205 = arith.mulf %concatenate3A_198, %mul3A_204 : vector<96x6912xf32>
    %broadcast_in_dim3A_206 = arith.constant 0.000000e+00 : f32
    %broadcast_in_dim3A_207 = vector.broadcast %broadcast_in_dim3A_206 : f32 to vector<96x6144xf32>
    %slice3A_208 = vector.extract_strided_slice %get3A_138 {offsets = [0, 0], sizes = [96, 1], strides = [1, 1]} : vector<96x9xf32> to vector<96x1xf32>
    %slice3A_209 = vector.extract_strided_slice %mul3A_196 {offsets = [0, 0], sizes = [96, 6144], strides = [1, 1]} : vector<96x6912xf32> to vector<96x6144xf32>
    %mul3A_210 = vector.broadcast %slice3A_208 : vector<96x1xf32> to vector<96x6144xf32>
    %mul3A_211 = arith.mulf %mul3A_210, %slice3A_209 : vector<96x6144xf32>
    %add3A_212 = arith.addf %broadcast_in_dim3A_207, %mul3A_211 : vector<96x6144xf32>
    %slice3A_213 = vector.extract_strided_slice %get3A_138 {offsets = [0, 1], sizes = [96, 1], strides = [1, 1]} : vector<96x9xf32> to vector<96x1xf32>
    %slice3A_214 = vector.extract_strided_slice %convert_element_type3A_162 {offsets = [0, 0], sizes = [96, 6144], strides = [1, 1]} : vector<96x6912xf32> to vector<96x6144xf32>
    %mul3A_215 = vector.broadcast %slice3A_213 : vector<96x1xf32> to vector<96x6144xf32>
    %mul3A_216 = arith.mulf %mul3A_215, %slice3A_214 : vector<96x6144xf32>
    %add3A_217 = arith.addf %add3A_212, %mul3A_216 : vector<96x6144xf32>
    %slice3A_218 = vector.extract_strided_slice %get3A_138 {offsets = [0, 2], sizes = [96, 1], strides = [1, 1]} : vector<96x9xf32> to vector<96x1xf32>
    %slice3A_219 = vector.extract_strided_slice %mul3A_205 {offsets = [0, 0], sizes = [96, 6144], strides = [1, 1]} : vector<96x6912xf32> to vector<96x6144xf32>
    %mul3A_220 = vector.broadcast %slice3A_218 : vector<96x1xf32> to vector<96x6144xf32>
    %mul3A_221 = arith.mulf %mul3A_220, %slice3A_219 : vector<96x6144xf32>
    %add3A_222 = arith.addf %add3A_217, %mul3A_221 : vector<96x6144xf32>
    %slice3A_223 = vector.extract_strided_slice %get3A_138 {offsets = [0, 3], sizes = [96, 1], strides = [1, 1]} : vector<96x9xf32> to vector<96x1xf32>
    %slice3A_224 = vector.extract_strided_slice %mul3A_196 {offsets = [0, 384], sizes = [96, 6144], strides = [1, 1]} : vector<96x6912xf32> to vector<96x6144xf32>
    %mul3A_225 = vector.broadcast %slice3A_223 : vector<96x1xf32> to vector<96x6144xf32>
    %mul3A_226 = arith.mulf %mul3A_225, %slice3A_224 : vector<96x6144xf32>
    %add3A_227 = arith.addf %add3A_222, %mul3A_226 : vector<96x6144xf32>
    %slice3A_228 = vector.extract_strided_slice %get3A_138 {offsets = [0, 4], sizes = [96, 1], strides = [1, 1]} : vector<96x9xf32> to vector<96x1xf32>
    %slice3A_229 = vector.extract_strided_slice %convert_element_type3A_162 {offsets = [0, 384], sizes = [96, 6144], strides = [1, 1]} : vector<96x6912xf32> to vector<96x6144xf32>
    %mul3A_230 = vector.broadcast %slice3A_228 : vector<96x1xf32> to vector<96x6144xf32>
    %mul3A_231 = arith.mulf %mul3A_230, %slice3A_229 : vector<96x6144xf32>
    %add3A_232 = arith.addf %add3A_227, %mul3A_231 : vector<96x6144xf32>
    %slice3A_233 = vector.extract_strided_slice %get3A_138 {offsets = [0, 5], sizes = [96, 1], strides = [1, 1]} : vector<96x9xf32> to vector<96x1xf32>
    %slice3A_234 = vector.extract_strided_slice %mul3A_205 {offsets = [0, 384], sizes = [96, 6144], strides = [1, 1]} : vector<96x6912xf32> to vector<96x6144xf32>
    %mul3A_235 = vector.broadcast %slice3A_233 : vector<96x1xf32> to vector<96x6144xf32>
    %mul3A_236 = arith.mulf %mul3A_235, %slice3A_234 : vector<96x6144xf32>
    %add3A_237 = arith.addf %add3A_232, %mul3A_236 : vector<96x6144xf32>
    %slice3A_238 = vector.extract_strided_slice %get3A_138 {offsets = [0, 6], sizes = [96, 1], strides = [1, 1]} : vector<96x9xf32> to vector<96x1xf32>
    %slice3A_239 = vector.extract_strided_slice %mul3A_196 {offsets = [0, 768], sizes = [96, 6144], strides = [1, 1]} : vector<96x6912xf32> to vector<96x6144xf32>
    %mul3A_240 = vector.broadcast %slice3A_238 : vector<96x1xf32> to vector<96x6144xf32>
    %mul3A_241 = arith.mulf %mul3A_240, %slice3A_239 : vector<96x6144xf32>
    %add3A_242 = arith.addf %add3A_237, %mul3A_241 : vector<96x6144xf32>
    %slice3A_243 = vector.extract_strided_slice %get3A_138 {offsets = [0, 7], sizes = [96, 1], strides = [1, 1]} : vector<96x9xf32> to vector<96x1xf32>
    %slice3A_244 = vector.extract_strided_slice %convert_element_type3A_162 {offsets = [0, 768], sizes = [96, 6144], strides = [1, 1]} : vector<96x6912xf32> to vector<96x6144xf32>
    %mul3A_245 = vector.broadcast %slice3A_243 : vector<96x1xf32> to vector<96x6144xf32>
    %mul3A_246 = arith.mulf %mul3A_245, %slice3A_244 : vector<96x6144xf32>
    %add3A_247 = arith.addf %add3A_242, %mul3A_246 : vector<96x6144xf32>
    %slice3A_248 = vector.extract_strided_slice %get3A_138 {offsets = [0, 8], sizes = [96, 1], strides = [1, 1]} : vector<96x9xf32> to vector<96x1xf32>
    %slice3A_249 = vector.extract_strided_slice %mul3A_205 {offsets = [0, 768], sizes = [96, 6144], strides = [1, 1]} : vector<96x6912xf32> to vector<96x6144xf32>
    %mul3A_250 = vector.broadcast %slice3A_248 : vector<96x1xf32> to vector<96x6144xf32>
    %mul3A_251 = arith.mulf %mul3A_250, %slice3A_249 : vector<96x6144xf32>
    %add3A_252 = arith.addf %add3A_247, %mul3A_251 : vector<96x6144xf32>
    %get3A_253 = arith.constant 0 : index
    %get3A_254 = arith.constant 0 : index
    %get3A_255 = arith.constant 0 : index
    %get3A_256 = vector.load %arg12[%get3A_253, %get3A_254, %get3A_255] : memref<1x96x1xf32, #tpu.memory_space<vmem>>, vector<1x96x1xf32>
    %get3A_257 = vector.shape_cast %get3A_256 : vector<1x96x1xf32> to vector<96x1xf32>
    %sqrt3A = math.sqrt %get3A_257 : vector<96x1xf32>
    %max3A = arith.constant 9.99999996E-13 : f32
    %max3A_258 = vector.broadcast %max3A : f32 to vector<96x1xf32>
    %max3A_259 = arith.maximumf %sqrt3A, %max3A_258 : vector<96x1xf32>
    %get3A_260 = arith.constant 0 : index
    %get3A_261 = arith.constant 0 : index
    %get3A_262 = arith.constant 0 : index
    %get3A_263 = vector.load %arg13[%get3A_260, %get3A_261, %get3A_262] : memref<1x96x1xf32, #tpu.memory_space<vmem>>, vector<1x96x1xf32>
    %get3A_264 = vector.shape_cast %get3A_263 : vector<1x96x1xf32> to vector<96x1xf32>
    %sqrt3A_265 = math.sqrt %get3A_264 : vector<96x1xf32>
    %max3A_266 = arith.constant 9.99999996E-13 : f32
    %max3A_267 = vector.broadcast %max3A_266 : f32 to vector<96x1xf32>
    %max3A_268 = arith.maximumf %sqrt3A_265, %max3A_267 : vector<96x1xf32>
    %div3A = vector.broadcast %max3A_259 : vector<96x1xf32> to vector<96x6144xf32>
    %div3A_269 = arith.divf %add3A_117, %div3A : vector<96x6144xf32>
    %convert_element_type3A_270 = arith.truncf %div3A_269 : vector<96x6144xf32> to vector<96x6144xbf16>
    %div3A_271 = vector.broadcast %max3A_268 : vector<96x1xf32> to vector<96x6144xf32>
    %div3A_272 = arith.divf %add3A_252, %div3A_271 : vector<96x6144xf32>
    %convert_element_type3A_273 = arith.truncf %div3A_272 : vector<96x6144xf32> to vector<96x6144xbf16>
    %eq3A_274 = arith.constant 0 : i32
    %eq3A_275 = arith.cmpi eq, %arg1, %eq3A_274 : i32
    %convert_element_type3A_276 = arith.extui %eq3A_275 : i1 to i32
    %cond3A = arith.constant 0 : i32
    %cond3A_277 = arith.cmpi ne, %convert_element_type3A_276, %cond3A : i32
    scf.if %cond3A_277 {
      %broadcast_in_dim3A_304 = arith.constant 0.000000e+00 : f32
      %broadcast_in_dim3A_305 = vector.broadcast %broadcast_in_dim3A_304 : f32 to vector<1x96x24xf32>
      %swap3A_306 = arith.constant 0 : index
      %swap3A_307 = arith.constant 0 : index
      %swap3A_308 = arith.constant 0 : index
      %swap3A_309 = vector.load %arg14[%swap3A_306, %swap3A_307, %swap3A_308] : memref<1x96x24xf32, #tpu.memory_space<vmem>>, vector<1x96x24xf32>
      tpu.vector_store %arg14[%swap3A_306, %swap3A_307, %swap3A_308], %broadcast_in_dim3A_305 {strides = array<i32>} : memref<1x96x24xf32, #tpu.memory_space<vmem>>, vector<1x96x24xf32>,
    } else {
    }
    %slice3A_278 = vector.extract_strided_slice %convert_element_type3A_270 {offsets = [0, 0], sizes = [24, 6144], strides = [1, 1]} : vector<96x6144xbf16> to vector<24x6144xbf16>
    %slice3A_279 = vector.extract_strided_slice %convert_element_type3A_273 {offsets = [0, 0], sizes = [24, 6144], strides = [1, 1]} : vector<96x6144xbf16> to vector<24x6144xbf16>
    %dot_general3A_280 = arith.constant dense<0.000000e+00> : vector<24x24xf32>
    %dot_general3A_281 = tpu.matmul %slice3A_278, %slice3A_279, %dot_general3A_280 {dimension_numbers = #tpu.dot_dimension_numbers<[1], [1], [0], [0], [0, 0, 1, 0], [], []>, transpose_lhs_hint = false} : vector<24x6144xbf16>, vector<24x6144xbf16>, vector<24x24xf32> -> vector<24x24xf32>
    %slice3A_282 = vector.extract_strided_slice %convert_element_type3A_270 {offsets = [24, 0], sizes = [24, 6144], strides = [1, 1]} : vector<96x6144xbf16> to vector<24x6144xbf16>
    %slice3A_283 = vector.extract_strided_slice %convert_element_type3A_273 {offsets = [24, 0], sizes = [24, 6144], strides = [1, 1]} : vector<96x6144xbf16> to vector<24x6144xbf16>
    %dot_general3A_284 = arith.constant dense<0.000000e+00> : vector<24x24xf32>
    %dot_general3A_285 = tpu.matmul %slice3A_282, %slice3A_283, %dot_general3A_284 {dimension_numbers = #tpu.dot_dimension_numbers<[1], [1], [0], [0], [0, 0, 1, 0], [], []>, transpose_lhs_hint = false} : vector<24x6144xbf16>, vector<24x6144xbf16>, vector<24x24xf32> -> vector<24x24xf32>
    %slice3A_286 = vector.extract_strided_slice %convert_element_type3A_270 {offsets = [48, 0], sizes = [24, 6144], strides = [1, 1]} : vector<96x6144xbf16> to vector<24x6144xbf16>
    %slice3A_287 = vector.extract_strided_slice %convert_element_type3A_273 {offsets = [48, 0], sizes = [24, 6144], strides = [1, 1]} : vector<96x6144xbf16> to vector<24x6144xbf16>
    %dot_general3A_288 = arith.constant dense<0.000000e+00> : vector<24x24xf32>
    %dot_general3A_289 = tpu.matmul %slice3A_286, %slice3A_287, %dot_general3A_288 {dimension_numbers = #tpu.dot_dimension_numbers<[1], [1], [0], [0], [0, 0, 1, 0], [], []>, transpose_lhs_hint = false} : vector<24x6144xbf16>, vector<24x6144xbf16>, vector<24x24xf32> -> vector<24x24xf32>
    %slice3A_290 = vector.extract_strided_slice %convert_element_type3A_270 {offsets = [72, 0], sizes = [24, 6144], strides = [1, 1]} : vector<96x6144xbf16> to vector<24x6144xbf16>
    %slice3A_291 = vector.extract_strided_slice %convert_element_type3A_273 {offsets = [72, 0], sizes = [24, 6144], strides = [1, 1]} : vector<96x6144xbf16> to vector<24x6144xbf16>
    %dot_general3A_292 = arith.constant dense<0.000000e+00> : vector<24x24xf32>
    %dot_general3A_293 = tpu.matmul %slice3A_290, %slice3A_291, %dot_general3A_292 {dimension_numbers = #tpu.dot_dimension_numbers<[1], [1], [0], [0], [0, 0, 1, 0], [], []>, transpose_lhs_hint = false} : vector<24x6144xbf16>, vector<24x6144xbf16>, vector<24x24xf32> -> vector<24x24xf32>
    %get3A_294 = arith.constant 0 : index
    %get3A_295 = arith.constant 0 : index
    %get3A_296 = arith.constant 0 : index
    %get3A_297 = vector.load %arg14[%get3A_294, %get3A_295, %get3A_296] : memref<1x96x24xf32, #tpu.memory_space<vmem>>, vector<1x96x24xf32>
    %concatenate3A_298 = tpu.concatenate %dot_general3A_281, %dot_general3A_285, %dot_general3A_289, %dot_general3A_293 in 0 : vector<24x24xf32>, vector<24x24xf32>, vector<24x24xf32>, vector<24x24xf32> -> vector<96x24xf32>
    %broadcast_in_dim3A_299 = vector.shape_cast %concatenate3A_298 : vector<96x24xf32> to vector<1x96x24xf32>
    %add3A_300 = arith.addf %get3A_297, %broadcast_in_dim3A_299 : vector<1x96x24xf32>
    %swap3A = arith.constant 0 : index
    %swap3A_301 = arith.constant 0 : index
    %swap3A_302 = arith.constant 0 : index
    %swap3A_303 = vector.load %arg14[%swap3A, %swap3A_301, %swap3A_302] : memref<1x96x24xf32, #tpu.memory_space<vmem>>, vector<1x96x24xf32>
    tpu.vector_store %arg14[%swap3A, %swap3A_301, %swap3A_302], %add3A_300 {strides = array<i32>} : memref<1x96x24xf32, #tpu.memory_space<vmem>>, vector<1x96x24xf32>,
    return
  }
  func.func @transform_0(%arg0: i32, %arg1: i32) -> (i32, i32, i32) {
    %c0_i32 = arith.constant 0 : i32
    %c0_i32_0 = arith.constant 0 : i32
    return %arg0, %c0_i32, %arg1 : i32, i32, i32
  }
  func.func @transform_1(%arg0: i32, %arg1: i32) -> (i32, i32, i32) {
    %mul3A = arith.constant 16 : i32
    %mul3A_0 = arith.muli %arg1, %mul3A : i32
    %sub3A = arith.constant 1 : i32
    %sub3A_1 = arith.subi %mul3A_0, %sub3A : i32
    %max3A = arith.constant 0 : i32
    %max3A_2 = arith.maxsi %sub3A_1, %max3A : i32
    %c0_i32 = arith.constant 0 : i32
    %c0_i32_3 = arith.constant 0 : i32
    return %arg0, %c0_i32, %max3A_2 : i32, i32, i32
  }
  func.func @transform_2(%arg0: i32, %arg1: i32) -> (i32, i32, i32) {
    %mul3A = arith.constant 16 : i32
    %mul3A_0 = arith.muli %arg1, %mul3A : i32
    %add3A = arith.constant 16 : i32
    %add3A_1 = arith.addi %mul3A_0, %add3A : i32
    %min3A = arith.constant 383 : i32
    %min3A_2 = arith.minsi %add3A_1, %min3A : i32
    %c0_i32 = arith.constant 0 : i32
    %c0_i32_3 = arith.constant 0 : i32
    return %arg0, %c0_i32, %min3A_2 : i32, i32, i32
  }
  func.func @transform_3(%arg0: i32, %arg1: i32) -> (i32, i32, i32) {
    %c0_i32 = arith.constant 0 : i32
    %c0_i32_0 = arith.constant 0 : i32
    return %arg0, %c0_i32, %arg1 : i32, i32, i32
  }
  func.func @transform_4(%arg0: i32, %arg1: i32) -> (i32, i32, i32) {
    %mul3A = arith.constant 16 : i32
    %mul3A_0 = arith.muli %arg1, %mul3A : i32
    %sub3A = arith.constant 1 : i32
    %sub3A_1 = arith.subi %mul3A_0, %sub3A : i32
    %max3A = arith.constant 0 : i32
    %max3A_2 = arith.maxsi %sub3A_1, %max3A : i32
    %c0_i32 = arith.constant 0 : i32
    %c0_i32_3 = arith.constant 0 : i32
    return %arg0, %c0_i32, %max3A_2 : i32, i32, i32
  }
  func.func @transform_5(%arg0: i32, %arg1: i32) -> (i32, i32, i32) {
    %mul3A = arith.constant 16 : i32
    %mul3A_0 = arith.muli %arg1, %mul3A : i32
    %add3A = arith.constant 16 : i32
    %add3A_1 = arith.addi %mul3A_0, %add3A : i32
    %min3A = arith.constant 383 : i32
    %min3A_2 = arith.minsi %add3A_1, %min3A : i32
    %c0_i32 = arith.constant 0 : i32
    %c0_i32_3 = arith.constant 0 : i32
    return %arg0, %c0_i32, %min3A_2 : i32, i32, i32
  }
  func.func @transform_6(%arg0: i32, %arg1: i32) -> (i32, i32) {
    %c0_i32 = arith.constant 0 : i32
    %c0_i32_0 = arith.constant 0 : i32
    %c0_i32_1 = arith.constant 0 : i32
    return %c0_i32, %c0_i32_0 : i32, i32
  }
  func.func @transform_7(%arg0: i32, %arg1: i32) -> (i32, i32) {
    %c0_i32 = arith.constant 0 : i32
    %c0_i32_0 = arith.constant 0 : i32
    %c0_i32_1 = arith.constant 0 : i32
    return %c0_i32, %c0_i32_0 : i32, i32
  }
  func.func @transform_8(%arg0: i32, %arg1: i32) -> (i32, i32) {
    %c0_i32 = arith.constant 0 : i32
    %c0_i32_0 = arith.constant 0 : i32
    %c0_i32_1 = arith.constant 0 : i32
    return %c0_i32, %c0_i32_0 : i32, i32
  }
  func.func @transform_9(%arg0: i32, %arg1: i32) -> (i32, i32) {
    %c0_i32 = arith.constant 0 : i32
    %c0_i32_0 = arith.constant 0 : i32
    %c0_i32_1 = arith.constant 0 : i32
    return %c0_i32, %c0_i32_0 : i32, i32
  }
  func.func @transform_10(%arg0: i32, %arg1: i32) -> (i32, i32, i32) {
    %c0_i32 = arith.constant 0 : i32
    %c0_i32_0 = arith.constant 0 : i32
    %c0_i32_1 = arith.constant 0 : i32
    return %arg0, %c0_i32, %c0_i32_0 : i32, i32, i32
  }
  func.func @transform_11(%arg0: i32, %arg1: i32) -> (i32, i32, i32) {
    %c0_i32 = arith.constant 0 : i32
    %c0_i32_0 = arith.constant 0 : i32
    %c0_i32_1 = arith.constant 0 : i32
    return %arg0, %c0_i32, %c0_i32_0 : i32, i32, i32
  }
  func.func @transform_12(%arg0: i32, %arg1: i32) -> (i32, i32, i32) {
    %c0_i32 = arith.constant 0 : i32
    %c0_i32_0 = arith.constant 0 : i32
    %c0_i32_1 = arith.constant 0 : i32
    return %arg0, %c0_i32, %c0_i32_0 : i32, i32, i32
  }
}

module attributes {stable_mosaic.version = 14 : i64} {
  func.func @body(%arg0: i32, %arg1: i32, %arg2: memref<1x96x6144xf32, #tpu.memory_space<vmem>>, %arg3: memref<1x96x384xf32, #tpu.memory_space<vmem>>, %arg4: memref<1x96x384xf32, #tpu.memory_space<vmem>>, %arg5: memref<96x96xbf16, #tpu.memory_space<vmem>>, %arg6: memref<96x9xf32, #tpu.memory_space<vmem>>, %arg7: memref<1x96x24xf32, #tpu.memory_space<vmem>>, %arg8: memref<96x96xbf16, #tpu.memory_space<vmem>>, %arg9: memref<1x1xf32, #tpu.memory_space<vmem>>, %arg10: memref<1x96x6144xf32, #tpu.memory_space<vmem>>) attributes {dimension_semantics = [#tpu.dimension_semantics<parallel>, #tpu.dimension_semantics<parallel>], iteration_bounds = array<i64: 2, 24>, scalar_prefetch = 0 : i64, scratch_operands = 0 : i64, tpu.core_type = #tpu.core_type<tc>, window_params = [{transform_indices = @transform_0, window_bounds = array<i64: 1, 96, 6144>}, {transform_indices = @transform_1, window_bounds = array<i64: 1, 96, 384>}, {transform_indices = @transform_2, window_bounds = array<i64: 1, 96, 384>}, {pipeline_mode = #tpu.pipeline_mode<synchronous>, transform_indices = @transform_3, window_bounds = array<i64: 96, 96>}, {pipeline_mode = #tpu.pipeline_mode<synchronous>, transform_indices = @transform_4, window_bounds = array<i64: 96, 9>}, {transform_indices = @transform_5, window_bounds = array<i64: 1, 96, 24>}, {pipeline_mode = #tpu.pipeline_mode<synchronous>, transform_indices = @transform_6, window_bounds = array<i64: 96, 96>}, {pipeline_mode = #tpu.pipeline_mode<synchronous>, transform_indices = @transform_7, window_bounds = array<i64: 1, 1>}, {transform_indices = @transform_8, window_bounds = array<i64: 1, 96, 6144>}]} {
    %get3A = arith.constant 0 : index
    %get3A_0 = arith.constant 0 : index
    %get3A_1 = arith.constant 0 : index
    %get3A_2 = vector.load %arg2[%get3A, %get3A_0, %get3A_1] : memref<1x96x6144xf32, #tpu.memory_space<vmem>>, vector<1x96x6144xf32>
    %get3A_3 = vector.shape_cast %get3A_2 : vector<1x96x6144xf32> to vector<96x6144xf32>
    %get3A_4 = arith.constant 0 : index
    %get3A_5 = arith.constant 0 : index
    %get3A_6 = arith.constant 0 : index
    %get3A_7 = vector.load %arg3[%get3A_4, %get3A_5, %get3A_6] : memref<1x96x384xf32, #tpu.memory_space<vmem>>, vector<1x96x384xf32>
    %get3A_8 = vector.shape_cast %get3A_7 : vector<1x96x384xf32> to vector<96x384xf32>
    %get3A_9 = arith.constant 0 : index
    %get3A_10 = arith.constant 0 : index
    %get3A_11 = arith.constant 0 : index
    %get3A_12 = vector.load %arg4[%get3A_9, %get3A_10, %get3A_11] : memref<1x96x384xf32, #tpu.memory_space<vmem>>, vector<1x96x384xf32>
    %get3A_13 = vector.shape_cast %get3A_12 : vector<1x96x384xf32> to vector<96x384xf32>
    %get3A_14 = arith.constant 0 : index
    %get3A_15 = arith.constant 0 : index
    %get3A_16 = vector.load %arg5[%get3A_14, %get3A_15] : memref<96x96xbf16, #tpu.memory_space<vmem>>, vector<96x96xbf16>
    %get3A_17 = arith.constant 0 : index
    %get3A_18 = arith.constant 0 : index
    %get3A_19 = vector.load %arg6[%get3A_17, %get3A_18] : memref<96x9xf32, #tpu.memory_space<vmem>>, vector<96x9xf32>
    %convert_element_type3A = arith.truncf %get3A_3 : vector<96x6144xf32> to vector<96x6144xbf16>
    %dot_general3A = arith.constant dense<0.000000e+00> : vector<96x6144xf32>
    %dot_general3A_20 = tpu.matmul %get3A_16, %convert_element_type3A, %dot_general3A {dimension_numbers = #tpu.dot_dimension_numbers<[1], [0], [0], [1], [0, 0, 1, 1], [], []>, transpose_lhs_hint = false} : vector<96x96xbf16>, vector<96x6144xbf16>, vector<96x6144xf32> -> vector<96x6144xf32>
    %convert_element_type3A_21 = arith.truncf %get3A_8 : vector<96x384xf32> to vector<96x384xbf16>
    %dot_general3A_22 = arith.constant dense<0.000000e+00> : vector<96x384xf32>
    %dot_general3A_23 = tpu.matmul %get3A_16, %convert_element_type3A_21, %dot_general3A_22 {dimension_numbers = #tpu.dot_dimension_numbers<[1], [0], [0], [1], [0, 0, 1, 1], [], []>, transpose_lhs_hint = false} : vector<96x96xbf16>, vector<96x384xbf16>, vector<96x384xf32> -> vector<96x384xf32>
    %convert_element_type3A_24 = arith.truncf %get3A_13 : vector<96x384xf32> to vector<96x384xbf16>
    %dot_general3A_25 = arith.constant dense<0.000000e+00> : vector<96x384xf32>
    %dot_general3A_26 = tpu.matmul %get3A_16, %convert_element_type3A_24, %dot_general3A_25 {dimension_numbers = #tpu.dot_dimension_numbers<[1], [0], [0], [1], [0, 0, 1, 1], [], []>, transpose_lhs_hint = false} : vector<96x96xbf16>, vector<96x384xbf16>, vector<96x384xf32> -> vector<96x384xf32>
    %gt3A = arith.constant 0 : i32
    %gt3A_27 = arith.cmpi sgt, %arg1, %gt3A : i32
    %convert_element_type3A_28 = arith.extui %gt3A_27 : i1 to i32
    %convert_element_type3A_29 = arith.sitofp %convert_element_type3A_28 : i32 to f32
    %lt3A = arith.constant 23 : i32
    %lt3A_30 = arith.cmpi slt, %arg1, %lt3A : i32
    %convert_element_type3A_31 = arith.extui %lt3A_30 : i1 to i32
    %convert_element_type3A_32 = arith.sitofp %convert_element_type3A_31 : i32 to f32
    %mul3A = vector.broadcast %convert_element_type3A_29 : f32 to vector<96x384xf32>
    %mul3A_33 = arith.mulf %dot_general3A_23, %mul3A : vector<96x384xf32>
    %mul3A_34 = vector.broadcast %convert_element_type3A_32 : f32 to vector<96x384xf32>
    %mul3A_35 = arith.mulf %dot_general3A_26, %mul3A_34 : vector<96x384xf32>
    %concatenate3A = tpu.concatenate %mul3A_33, %dot_general3A_20, %mul3A_35 in 1 : vector<96x384xf32>, vector<96x6144xf32>, vector<96x384xf32> -> vector<96x6912xf32>
    %convert_element_type3A_36 = arith.truncf %concatenate3A : vector<96x6912xf32> to vector<96x6912xbf16>
    %convert_element_type3A_37 = arith.extf %convert_element_type3A_36 : vector<96x6912xbf16> to vector<96x6912xf32>
    %broadcast_in_dim3A = arith.constant 0.000000e+00 : f32
    %broadcast_in_dim3A_38 = vector.broadcast %broadcast_in_dim3A : f32 to vector<96x1xf32>
    %iota3A = tpu.iota {dimensions = array<i32: 1>} : vector<1x6912xi32>
    %jit3A = arith.constant 384 : i32
    %eq3A = arith.constant 0 : i32
    %eq3A_39 = arith.cmpi eq, %jit3A, %eq3A : i32
    %jit3A_40 = arith.constant 1 : i32
    %select_n3A = arith.select %eq3A_39, %jit3A_40, %jit3A : i32
    %rem3A = vector.broadcast %select_n3A : i32 to vector<1x6912xi32>
    %rem3A_41 = arith.remsi %iota3A, %rem3A : vector<1x6912xi32>
    %ne3A = arith.constant 0 : i32
    %ne3A_42 = vector.broadcast %ne3A : i32 to vector<1x6912xi32>
    %ne3A_43 = arith.cmpi ne, %rem3A_41, %ne3A_42 : vector<1x6912xi32>
    %lt3A_44 = arith.constant 0 : i32
    %lt3A_45 = vector.broadcast %lt3A_44 : i32 to vector<1x6912xi32>
    %lt3A_46 = arith.cmpi slt, %rem3A_41, %lt3A_45 : vector<1x6912xi32>
    %lt3A_47 = arith.constant 0 : i32
    %lt3A_48 = arith.cmpi slt, %select_n3A, %lt3A_47 : i32
    %ne3A_49 = vector.broadcast %lt3A_48 : i1 to vector<1x6912xi1>
    %ne3A_50 = vector.broadcast %ne3A_49 : vector<1x6912xi1> to vector<1x6912xi1>
    %ne3A_51 = arith.xori %lt3A_46, %ne3A_50 : vector<1x6912xi1>
    %and3A = arith.andi %ne3A_51, %ne3A_43 : vector<1x6912xi1>
    %add3A = vector.broadcast %select_n3A : i32 to vector<1x6912xi32>
    %add3A_52 = arith.addi %rem3A_41, %add3A : vector<1x6912xi32>
    %select_n3A_53 = arith.select %and3A, %add3A_52, %rem3A_41 : vector<1x6912xi1>, vector<1x6912xi32>
    %slice3A = vector.extract_strided_slice %convert_element_type3A_37 {offsets = [0, 0], sizes = [96, 6911], strides = [1, 1]} : vector<96x6912xf32> to vector<96x6911xf32>
    %concatenate3A_54 = tpu.concatenate %broadcast_in_dim3A_38, %slice3A in 1 : vector<96x1xf32>, vector<96x6911xf32> -> vector<96x6912xf32>
    %ne3A_55 = arith.constant 0 : i32
    %ne3A_56 = vector.broadcast %ne3A_55 : i32 to vector<1x6912xi32>
    %ne3A_57 = arith.cmpi ne, %select_n3A_53, %ne3A_56 : vector<1x6912xi32>
    %convert_element_type3A_58 = arith.extui %ne3A_57 : vector<1x6912xi1> to vector<1x6912xi32>
    %convert_element_type3A_59 = arith.sitofp %convert_element_type3A_58 : vector<1x6912xi32> to vector<1x6912xf32>
    %mul3A_60 = vector.broadcast %convert_element_type3A_59 : vector<1x6912xf32> to vector<96x6912xf32>
    %mul3A_61 = arith.mulf %concatenate3A_54, %mul3A_60 : vector<96x6912xf32>
    %slice3A_62 = vector.extract_strided_slice %convert_element_type3A_37 {offsets = [0, 1], sizes = [96, 6911], strides = [1, 1]} : vector<96x6912xf32> to vector<96x6911xf32>
    %concatenate3A_63 = tpu.concatenate %slice3A_62, %broadcast_in_dim3A_38 in 1 : vector<96x6911xf32>, vector<96x1xf32> -> vector<96x6912xf32>
    %ne3A_64 = arith.constant 383 : i32
    %ne3A_65 = vector.broadcast %ne3A_64 : i32 to vector<1x6912xi32>
    %ne3A_66 = arith.cmpi ne, %select_n3A_53, %ne3A_65 : vector<1x6912xi32>
    %convert_element_type3A_67 = arith.extui %ne3A_66 : vector<1x6912xi1> to vector<1x6912xi32>
    %convert_element_type3A_68 = arith.sitofp %convert_element_type3A_67 : vector<1x6912xi32> to vector<1x6912xf32>
    %mul3A_69 = vector.broadcast %convert_element_type3A_68 : vector<1x6912xf32> to vector<96x6912xf32>
    %mul3A_70 = arith.mulf %concatenate3A_63, %mul3A_69 : vector<96x6912xf32>
    %broadcast_in_dim3A_71 = arith.constant 0.000000e+00 : f32
    %broadcast_in_dim3A_72 = vector.broadcast %broadcast_in_dim3A_71 : f32 to vector<96x6144xf32>
    %slice3A_73 = vector.extract_strided_slice %get3A_19 {offsets = [0, 0], sizes = [96, 1], strides = [1, 1]} : vector<96x9xf32> to vector<96x1xf32>
    %slice3A_74 = vector.extract_strided_slice %mul3A_61 {offsets = [0, 0], sizes = [96, 6144], strides = [1, 1]} : vector<96x6912xf32> to vector<96x6144xf32>
    %mul3A_75 = vector.broadcast %slice3A_73 : vector<96x1xf32> to vector<96x6144xf32>
    %mul3A_76 = arith.mulf %mul3A_75, %slice3A_74 : vector<96x6144xf32>
    %add3A_77 = arith.addf %broadcast_in_dim3A_72, %mul3A_76 : vector<96x6144xf32>
    %slice3A_78 = vector.extract_strided_slice %get3A_19 {offsets = [0, 1], sizes = [96, 1], strides = [1, 1]} : vector<96x9xf32> to vector<96x1xf32>
    %slice3A_79 = vector.extract_strided_slice %convert_element_type3A_37 {offsets = [0, 0], sizes = [96, 6144], strides = [1, 1]} : vector<96x6912xf32> to vector<96x6144xf32>
    %mul3A_80 = vector.broadcast %slice3A_78 : vector<96x1xf32> to vector<96x6144xf32>
    %mul3A_81 = arith.mulf %mul3A_80, %slice3A_79 : vector<96x6144xf32>
    %add3A_82 = arith.addf %add3A_77, %mul3A_81 : vector<96x6144xf32>
    %slice3A_83 = vector.extract_strided_slice %get3A_19 {offsets = [0, 2], sizes = [96, 1], strides = [1, 1]} : vector<96x9xf32> to vector<96x1xf32>
    %slice3A_84 = vector.extract_strided_slice %mul3A_70 {offsets = [0, 0], sizes = [96, 6144], strides = [1, 1]} : vector<96x6912xf32> to vector<96x6144xf32>
    %mul3A_85 = vector.broadcast %slice3A_83 : vector<96x1xf32> to vector<96x6144xf32>
    %mul3A_86 = arith.mulf %mul3A_85, %slice3A_84 : vector<96x6144xf32>
    %add3A_87 = arith.addf %add3A_82, %mul3A_86 : vector<96x6144xf32>
    %slice3A_88 = vector.extract_strided_slice %get3A_19 {offsets = [0, 3], sizes = [96, 1], strides = [1, 1]} : vector<96x9xf32> to vector<96x1xf32>
    %slice3A_89 = vector.extract_strided_slice %mul3A_61 {offsets = [0, 384], sizes = [96, 6144], strides = [1, 1]} : vector<96x6912xf32> to vector<96x6144xf32>
    %mul3A_90 = vector.broadcast %slice3A_88 : vector<96x1xf32> to vector<96x6144xf32>
    %mul3A_91 = arith.mulf %mul3A_90, %slice3A_89 : vector<96x6144xf32>
    %add3A_92 = arith.addf %add3A_87, %mul3A_91 : vector<96x6144xf32>
    %slice3A_93 = vector.extract_strided_slice %get3A_19 {offsets = [0, 4], sizes = [96, 1], strides = [1, 1]} : vector<96x9xf32> to vector<96x1xf32>
    %slice3A_94 = vector.extract_strided_slice %convert_element_type3A_37 {offsets = [0, 384], sizes = [96, 6144], strides = [1, 1]} : vector<96x6912xf32> to vector<96x6144xf32>
    %mul3A_95 = vector.broadcast %slice3A_93 : vector<96x1xf32> to vector<96x6144xf32>
    %mul3A_96 = arith.mulf %mul3A_95, %slice3A_94 : vector<96x6144xf32>
    %add3A_97 = arith.addf %add3A_92, %mul3A_96 : vector<96x6144xf32>
    %slice3A_98 = vector.extract_strided_slice %get3A_19 {offsets = [0, 5], sizes = [96, 1], strides = [1, 1]} : vector<96x9xf32> to vector<96x1xf32>
    %slice3A_99 = vector.extract_strided_slice %mul3A_70 {offsets = [0, 384], sizes = [96, 6144], strides = [1, 1]} : vector<96x6912xf32> to vector<96x6144xf32>
    %mul3A_100 = vector.broadcast %slice3A_98 : vector<96x1xf32> to vector<96x6144xf32>
    %mul3A_101 = arith.mulf %mul3A_100, %slice3A_99 : vector<96x6144xf32>
    %add3A_102 = arith.addf %add3A_97, %mul3A_101 : vector<96x6144xf32>
    %slice3A_103 = vector.extract_strided_slice %get3A_19 {offsets = [0, 6], sizes = [96, 1], strides = [1, 1]} : vector<96x9xf32> to vector<96x1xf32>
    %slice3A_104 = vector.extract_strided_slice %mul3A_61 {offsets = [0, 768], sizes = [96, 6144], strides = [1, 1]} : vector<96x6912xf32> to vector<96x6144xf32>
    %mul3A_105 = vector.broadcast %slice3A_103 : vector<96x1xf32> to vector<96x6144xf32>
    %mul3A_106 = arith.mulf %mul3A_105, %slice3A_104 : vector<96x6144xf32>
    %add3A_107 = arith.addf %add3A_102, %mul3A_106 : vector<96x6144xf32>
    %slice3A_108 = vector.extract_strided_slice %get3A_19 {offsets = [0, 7], sizes = [96, 1], strides = [1, 1]} : vector<96x9xf32> to vector<96x1xf32>
    %slice3A_109 = vector.extract_strided_slice %convert_element_type3A_37 {offsets = [0, 768], sizes = [96, 6144], strides = [1, 1]} : vector<96x6912xf32> to vector<96x6144xf32>
    %mul3A_110 = vector.broadcast %slice3A_108 : vector<96x1xf32> to vector<96x6144xf32>
    %mul3A_111 = arith.mulf %mul3A_110, %slice3A_109 : vector<96x6144xf32>
    %add3A_112 = arith.addf %add3A_107, %mul3A_111 : vector<96x6144xf32>
    %slice3A_113 = vector.extract_strided_slice %get3A_19 {offsets = [0, 8], sizes = [96, 1], strides = [1, 1]} : vector<96x9xf32> to vector<96x1xf32>
    %slice3A_114 = vector.extract_strided_slice %mul3A_70 {offsets = [0, 768], sizes = [96, 6144], strides = [1, 1]} : vector<96x6912xf32> to vector<96x6144xf32>
    %mul3A_115 = vector.broadcast %slice3A_113 : vector<96x1xf32> to vector<96x6144xf32>
    %mul3A_116 = arith.mulf %mul3A_115, %slice3A_114 : vector<96x6144xf32>
    %add3A_117 = arith.addf %add3A_112, %mul3A_116 : vector<96x6144xf32>
    %convert_element_type3A_118 = arith.truncf %add3A_117 : vector<96x6144xf32> to vector<96x6144xbf16>
    %get3A_119 = arith.constant 0 : index
    %get3A_120 = arith.constant 0 : index
    %get3A_121 = arith.constant 0 : index
    %get3A_122 = vector.load %arg7[%get3A_119, %get3A_120, %get3A_121] : memref<1x96x24xf32, #tpu.memory_space<vmem>>, vector<1x96x24xf32>
    %get3A_123 = vector.shape_cast %get3A_122 : vector<1x96x24xf32> to vector<96x24xf32>
    %convert_element_type3A_124 = arith.truncf %get3A_123 : vector<96x24xf32> to vector<96x24xbf16>
    %slice3A_125 = vector.extract_strided_slice %convert_element_type3A_124 {offsets = [0, 0], sizes = [24, 24], strides = [1, 1]} : vector<96x24xbf16> to vector<24x24xbf16>
    %slice3A_126 = vector.extract_strided_slice %convert_element_type3A_118 {offsets = [0, 0], sizes = [24, 6144], strides = [1, 1]} : vector<96x6144xbf16> to vector<24x6144xbf16>
    %dot_general3A_127 = arith.constant dense<0.000000e+00> : vector<24x6144xf32>
    %dot_general3A_128 = tpu.matmul %slice3A_125, %slice3A_126, %dot_general3A_127 {dimension_numbers = #tpu.dot_dimension_numbers<[1], [0], [0], [1], [0, 0, 1, 1], [], []>, transpose_lhs_hint = false} : vector<24x24xbf16>, vector<24x6144xbf16>, vector<24x6144xf32> -> vector<24x6144xf32>
    %slice3A_129 = vector.extract_strided_slice %convert_element_type3A_124 {offsets = [24, 0], sizes = [24, 24], strides = [1, 1]} : vector<96x24xbf16> to vector<24x24xbf16>
    %slice3A_130 = vector.extract_strided_slice %convert_element_type3A_118 {offsets = [24, 0], sizes = [24, 6144], strides = [1, 1]} : vector<96x6144xbf16> to vector<24x6144xbf16>
    %dot_general3A_131 = arith.constant dense<0.000000e+00> : vector<24x6144xf32>
    %dot_general3A_132 = tpu.matmul %slice3A_129, %slice3A_130, %dot_general3A_131 {dimension_numbers = #tpu.dot_dimension_numbers<[1], [0], [0], [1], [0, 0, 1, 1], [], []>, transpose_lhs_hint = false} : vector<24x24xbf16>, vector<24x6144xbf16>, vector<24x6144xf32> -> vector<24x6144xf32>
    %slice3A_133 = vector.extract_strided_slice %convert_element_type3A_124 {offsets = [48, 0], sizes = [24, 24], strides = [1, 1]} : vector<96x24xbf16> to vector<24x24xbf16>
    %slice3A_134 = vector.extract_strided_slice %convert_element_type3A_118 {offsets = [48, 0], sizes = [24, 6144], strides = [1, 1]} : vector<96x6144xbf16> to vector<24x6144xbf16>
    %dot_general3A_135 = arith.constant dense<0.000000e+00> : vector<24x6144xf32>
    %dot_general3A_136 = tpu.matmul %slice3A_133, %slice3A_134, %dot_general3A_135 {dimension_numbers = #tpu.dot_dimension_numbers<[1], [0], [0], [1], [0, 0, 1, 1], [], []>, transpose_lhs_hint = false} : vector<24x24xbf16>, vector<24x6144xbf16>, vector<24x6144xf32> -> vector<24x6144xf32>
    %slice3A_137 = vector.extract_strided_slice %convert_element_type3A_124 {offsets = [72, 0], sizes = [24, 24], strides = [1, 1]} : vector<96x24xbf16> to vector<24x24xbf16>
    %slice3A_138 = vector.extract_strided_slice %convert_element_type3A_118 {offsets = [72, 0], sizes = [24, 6144], strides = [1, 1]} : vector<96x6144xbf16> to vector<24x6144xbf16>
    %dot_general3A_139 = arith.constant dense<0.000000e+00> : vector<24x6144xf32>
    %dot_general3A_140 = tpu.matmul %slice3A_137, %slice3A_138, %dot_general3A_139 {dimension_numbers = #tpu.dot_dimension_numbers<[1], [0], [0], [1], [0, 0, 1, 1], [], []>, transpose_lhs_hint = false} : vector<24x24xbf16>, vector<24x6144xbf16>, vector<24x6144xf32> -> vector<24x6144xf32>
    %concatenate3A_141 = tpu.concatenate %dot_general3A_128, %dot_general3A_132, %dot_general3A_136, %dot_general3A_140 in 0 : vector<24x6144xf32>, vector<24x6144xf32>, vector<24x6144xf32>, vector<24x6144xf32> -> vector<96x6144xf32>
    %get3A_142 = arith.constant 0 : index
    %get3A_143 = arith.constant 0 : index
    %get3A_144 = vector.load %arg9[%get3A_142, %get3A_143] : memref<1x1xf32, #tpu.memory_space<vmem>>, vector<1x1xf32>
    %get3A_145 = vector.extract %get3A_144[0, 0] : f32 from vector<1x1xf32>
    %mul3A_146 = vector.broadcast %get3A_145 : f32 to vector<96x6144xf32>
    %mul3A_147 = arith.mulf %concatenate3A_141, %mul3A_146 : vector<96x6144xf32>
    %get3A_148 = arith.constant 0 : index
    %get3A_149 = arith.constant 0 : index
    %get3A_150 = vector.load %arg8[%get3A_148, %get3A_149] : memref<96x96xbf16, #tpu.memory_space<vmem>>, vector<96x96xbf16>
    %convert_element_type3A_151 = arith.truncf %mul3A_147 : vector<96x6144xf32> to vector<96x6144xbf16>
    %dot_general3A_152 = arith.constant dense<0.000000e+00> : vector<96x6144xf32>
    %dot_general3A_153 = tpu.matmul %get3A_150, %convert_element_type3A_151, %dot_general3A_152 {dimension_numbers = #tpu.dot_dimension_numbers<[1], [0], [0], [1], [0, 0, 1, 1], [], []>, transpose_lhs_hint = false} : vector<96x96xbf16>, vector<96x6144xbf16>, vector<96x6144xf32> -> vector<96x6144xf32>
    %broadcast_in_dim3A_154 = vector.shape_cast %dot_general3A_153 : vector<96x6144xf32> to vector<1x96x6144xf32>
    %swap3A = arith.constant 0 : index
    %swap3A_155 = arith.constant 0 : index
    %swap3A_156 = arith.constant 0 : index
    %swap3A_157 = vector.load %arg10[%swap3A, %swap3A_155, %swap3A_156] : memref<1x96x6144xf32, #tpu.memory_space<vmem>>, vector<1x96x6144xf32>
    tpu.vector_store %arg10[%swap3A, %swap3A_155, %swap3A_156], %broadcast_in_dim3A_154 {strides = array<i32>} : memref<1x96x6144xf32, #tpu.memory_space<vmem>>, vector<1x96x6144xf32>,
    return
  }
  func.func @transform_0(%arg0: i32, %arg1: i32) -> (i32, i32, i32) {
    %c0_i32 = arith.constant 0 : i32
    %c0_i32_0 = arith.constant 0 : i32
    return %arg0, %c0_i32, %arg1 : i32, i32, i32
  }
  func.func @transform_1(%arg0: i32, %arg1: i32) -> (i32, i32, i32) {
    %mul3A = arith.constant 16 : i32
    %mul3A_0 = arith.muli %arg1, %mul3A : i32
    %sub3A = arith.constant 1 : i32
    %sub3A_1 = arith.subi %mul3A_0, %sub3A : i32
    %max3A = arith.constant 0 : i32
    %max3A_2 = arith.maxsi %sub3A_1, %max3A : i32
    %c0_i32 = arith.constant 0 : i32
    %c0_i32_3 = arith.constant 0 : i32
    return %arg0, %c0_i32, %max3A_2 : i32, i32, i32
  }
  func.func @transform_2(%arg0: i32, %arg1: i32) -> (i32, i32, i32) {
    %mul3A = arith.constant 16 : i32
    %mul3A_0 = arith.muli %arg1, %mul3A : i32
    %add3A = arith.constant 16 : i32
    %add3A_1 = arith.addi %mul3A_0, %add3A : i32
    %min3A = arith.constant 383 : i32
    %min3A_2 = arith.minsi %add3A_1, %min3A : i32
    %c0_i32 = arith.constant 0 : i32
    %c0_i32_3 = arith.constant 0 : i32
    return %arg0, %c0_i32, %min3A_2 : i32, i32, i32
  }
  func.func @transform_3(%arg0: i32, %arg1: i32) -> (i32, i32) {
    %c0_i32 = arith.constant 0 : i32
    %c0_i32_0 = arith.constant 0 : i32
    %c0_i32_1 = arith.constant 0 : i32
    return %c0_i32, %c0_i32_0 : i32, i32
  }
  func.func @transform_4(%arg0: i32, %arg1: i32) -> (i32, i32) {
    %c0_i32 = arith.constant 0 : i32
    %c0_i32_0 = arith.constant 0 : i32
    %c0_i32_1 = arith.constant 0 : i32
    return %c0_i32, %c0_i32_0 : i32, i32
  }
  func.func @transform_5(%arg0: i32, %arg1: i32) -> (i32, i32, i32) {
    %c0_i32 = arith.constant 0 : i32
    %c0_i32_0 = arith.constant 0 : i32
    %c0_i32_1 = arith.constant 0 : i32
    return %arg0, %c0_i32, %c0_i32_0 : i32, i32, i32
  }
  func.func @transform_6(%arg0: i32, %arg1: i32) -> (i32, i32) {
    %c0_i32 = arith.constant 0 : i32
    %c0_i32_0 = arith.constant 0 : i32
    %c0_i32_1 = arith.constant 0 : i32
    return %c0_i32, %c0_i32_0 : i32, i32
  }
  func.func @transform_7(%arg0: i32, %arg1: i32) -> (i32, i32) {
    %c0_i32 = arith.constant 0 : i32
    %c0_i32_0 = arith.constant 0 : i32
    %c0_i32_1 = arith.constant 0 : i32
    return %c0_i32, %c0_i32_0 : i32, i32
  }
  func.func @transform_8(%arg0: i32, %arg1: i32) -> (i32, i32, i32) {
    %c0_i32 = arith.constant 0 : i32
    %c0_i32_0 = arith.constant 0 : i32
    return %arg0, %c0_i32, %arg1 : i32, i32, i32
  }
}

</mosaic_0001>

<sc_bundles>
// kernel: sparse-core-data-format-call.cloned.1.call-start
scs
called_computation_lowered:
.L_overlay_start_0:
0x0: {  	s2 =	sld [smem:$0x3FD9]  }
0x1: {  	s3 =	sld [smem:$0x3FFE];
	_ =	sdelay $0x1  }
0x2: {  	s1 =	srdreg.scid  }
0x3: {  	s0 =	sand.u32 $0x1, s1  }
0x4: {  	s18 =	sshll.u32 s0, $0xA;
	s2 =	sadd.s32 s3, s2  }
0x5: {  	s2 =	sadd.s32 s2, s18  }
0x6: {  	[smem:$0x3FBF] =	sst s2  }
0x7: {  	_ = 	snop  }
0x8: {  	s2 =	sld [smem:$0x3FD0];
	(tm) =	ssettm $0x1  }
0x9: {  	s19 =	sld [smem:$0x3FFB];
	_ =	sdelay $0x3  }
0xa: {  	_ =	strace s19  }
0xb: {  	s3 =	sld [smem:$0x3FFC];
	_ =	sdelay $0x3  }
0xc: {  	_ =	strace s3  }
0xd: {  	s3 =	sld [smem:$0x3FFD];
	_ =	sdelay $0x3  }
0xe: {  	_ =	strace s3  }
0xf: {  	_ =	strace $0x8FFFFFFF  }
0x10: {  	s20 =	sld [smem:$0x3FDB];
	_ =	sdelay $0x1  }
0x11: {  	s4 =	simm.s32 $_scs_section_size  }
0x12: {  	s5 =	simm.s32 $_size__tile_overlayer_lowered;
	s6 =	simm.s32 $_tile_overlayer_lowered  }
0x13: {  	s23 =	simm.s32 $0x1BFF;
	s22 =	sshll.u32 s6, $0x1;
	s3 =	sadd.s32 s4, s20  }
0x14: {  	s7 =	simm.s32 $0x0;
	s21 =	sshll.u32 s5, $0x1;
	s5 =	sadd.s32 s22, s3  }
0x15: {  	[timem:s7], [sflag:s23] =	dma.local [hbm:s5], s21  }
0x16: {  	_ =	swait.ge [sflag:s23], s21  }
0x17: {  	s4 =	ssub.s32 $0x0, s21;
	[sflag:s23] =	ssyncset.done $0x0  }
0x18: {  	[sflag:s23] =	ssyncadd.s32 s4;
	_ =	sdelay $0x1  }
0x19: {  	s24 =	simm.s32 $0x1B8B  }
0x1a: {  	_ =	swait.ge [sflag:s24], $0x1  }
0x1b: {  	[sflag:s24] =	ssyncset.done $0x0  }
0x1c: {  	s26 =	simm.s32 $0x1B8E;
	s25 =	sld [smem:$0x3FFE];
	[sflag:s24] =	ssyncadd.s32 $0xFFFFFFFF  }
0x1d: {  	s27 =	simm.s32 $execute0_lowered;
	[smem:$0x3FD2] =	sst s26  }
0x1e: {  	s5 =	sshll.u32 s27, $0x1;
	_ =	strace $0x80000046;
	[dreg:$0x1] =	wrdreg $0xFFFFFFFF  }
0x1f: {  	s28 =	simm.s32 $_size_execute0_lowered;
	s3 =	sadd.s32 s3, s5;
	[dreg:$0x0] =	wrdreg $0x0  }
0x20: {  	s5 =	sshll.u32 s28, $0x1;
	[dreg:$0x2] =	wrdreg s3  }
0x21: {  	[dreg:$0x3] =	wrdreg s5  }
0x22: {  	[dreg:$0x4] =	wrdreg $0xC0  }
0x23: {  	_ =	task [dreg:s7], $0x5FFFF  }
0x24: {  	[dreg:$0x1] =	wrdreg $0xFFFFFFFF  }
0x25: {  	[dreg:$0x0] =	wrdreg $0x60  }
0x26: {  	[dreg:$0x2] =	wrdreg s25  }
0x27: {  	[dreg:$0x3] =	wrdreg s2  }
0x28: {  	[dreg:$0x4] =	wrdreg $0x9  }
0x29: {  	_ =	task.clear_ibuf [dreg:s7], $0x5FFFF;
	_ =	strace $0x90000046  }
0x2a: {  	s29 =	simm.s32 $0x9;
	_ =	strace $0x80000048  }
0x2b: {  	_ =	swait.ge [sflag:s29], $0x1  }
0x2c: {  	[sflag:s29] =	ssyncadd.s32 $0xFFFFFFFF  }
0x2d: {  	_ =	strace $0x90000048  }
0x2e: {  	_ =	sfence  }
0x2f: {  	s30 =	sld [smem:$0x0];
	_ =	sdelay $0x2  }
0x30: {  	s31 =	sshll.u32 s1, $0xD;
	s1 =	sshrl.u32 s1, $0x2  }
0x31: {  	s3 =	sand.u32 $0x4000, s31;
	s1 =	sadd.s32 s1, s30  }
0x32: {  	s0 =	sor.u32 s3, s0;
	s1 =	sshll.u32 s1, $0x11  }
0x33: {  	s0 =	sor.u32 s1, s0  }
0x34: {  	s0 =	sadd.s32 $0x8F2B, s0  }
0x35: {  	[sflag:s0] =	ssyncadd.remote.s32 $0x1  }
0x36: {  	_ =	sfence.sel $0xFFFF  }
0x37: {  	[dreg:$0x0] =	wrdreg $0xFFFFFFFF;
	(pc) =	sbr.abs _section_cstart, $3  }
0x38: {  	[dreg:$0x1] =	wrdreg $0xFFFFFFFF  }
0x39: {  	_ =	task.clear_ibuf [dreg:s7], $0x2FFFF;
	_ =	strace $0x9FFFFFFF  }
0x3a: {  	(tm) =	ssettm $0x7FFFFFFF  }
0x3b: {  	_ =	shalt  }
tec
execute0_lowered:
.L_overlay_start_1:
0x0: {  	(tag) =	ssettag $0x1  }
0x1: {  	s1 =	rddreg [dreg:$0x0]  }
0x2: {  	s2 =	rddreg [dreg:$0x1]  }
0x3: {  	s0 =	rddreg [dreg:$0x2];
	s4 =	srdreg.scid  }
0x4: {  	_ =	strace $0x80000047;
	s7 =	simm.s32 $0x2;
	s15 =	simm.s32 $0x0  }
0x5: {  	p0 =	por $0x0, $0x0;
	s13 =	simm.s32 $0x0;
	s16 =	simm.s32 $0x0  }
0x6: {  	s14 =	simm.s32 $0x0;
	s9 =	simm.s32 $0x0;
	s11 =	simm.s32 $0x0  }
.Ltmp0:
0x7: {  	s3 =	sadd.s32 $0xE00, s1;
	s4 =	sshll.u32 s4, $0x4;
	(pc) =	sbr.rel .LBB1_1-.Ltmp0, $4  }
0x8: {  	s1 =	stileid.u32;
	s5 =	sand.u32 $0x10, s4;
	s4 =	simm.s32 $0x1  }
0x9: {  	s8 =	simm.s32 $0x0;
	s6 =	sor.u32 s1, s5;
	[sflag:s4] =	ssyncpa.u1 $0x0  }
0xa: {  	s5 =	sand.u32 $0x3, s1;
	s6 =	sshrl.u32 s6, $0x2;
	[sflag:s7] =	ssyncpa.u1 $0x0  }
0xb: {  	s7 =	simm.s32 $0xC00;
	s12 =	smov.u32 s5;
	s10 =	smov.u32 s6  }
.LBB1_5:
0xc: {  	s17 =	sadd.s32 $0x80, s9  }
0xd: {  	s13 =	sadd.s32 $0x8, s10;
	s18 =	smov.u32 s10;
	p2 =	sgt.s32 s17, $0x17F  }
0xe: {  	s18 =	smov.u32 @p2 s13  }
0xf: {  	s19 =	smov.u32 s11;
	s13 =	sadd.s32 $0x80, s11;
	p3 =	sgt.s32 s18, $0x7  }
0x10: {  	s19 =	smov.u32 @p3 s13  }
0x11: {  	s20 =	smov.u32 s12;
	s13 =	sadd.s32 $0x4, s12;
	p4 =	sgt.s32 s19, $0x17F  }
0x12: {  	p1 =	slt.u32 s8, $0x2;
	s20 =	smov.u32 @p4 s13  }
0x13: {  	s8 =	sadd.s32 $0x1, s8;
	s17 =	simm.s32 @p2 $0x0;
	p2 =	sgt.s32 s20, $0x17  }
0x14: {  	s15 =	smov.u32 s9;
	s20 =	smov.u32 @p2 s5;
	p2 =	sne.s32 s8, $0x38  }
.Ltmp1:
0x15: {  	s16 =	smov.u32 s11;
	s21 =	simm.s32 @!p1 $0x2;
	(pc) =	sbr.rel @!p2 .LBB1_6-.Ltmp1, $4  }
0x16: {  	s14 =	smov.u32 s12;
	p0 =	por !p0, !p0;
	_ =	swait.ge @!p1 [sflag:s21], $0x4000  }
0x17: {  	[sflag:s21] =	ssyncset.done @!p1 $0x0;
	s9 =	smov.u32 s17;
	s18 =	smov.u32 @p3 s6  }
0x18: {  	[sflag:s21] =	ssyncadd.s32 @!p1 $0xFFFFC000;
	s19 =	simm.s32 @p4 $0x0;
	s13 =	smov.u32 s10  }
0x19: {  	s10 =	smov.u32 s18;
	s11 =	smov.u32 s19;
	s12 =	smov.u32 s20  }
.LBB1_1:
0x1a: {  	p1 =	sgt.u32 s8, $0x35  }
0x1b: {  	s17 =	sshrl.u32 @!p1 s10, $0x3  }
0x1c: {  	s18 =	sshll.u32 @!p1 s9, $0x3;
	s17 =	smul.u32 @!p1 $0xC00, s17  }
0x1d: {  	s19 =	sshll.u32 @!p1 s10, $0x7;
	s18 =	sand.u32 @!p1 $0xFFFFFC00, s18  }
0x1e: {  	s17 =	sadd.s32 @!p1 s17, s18;
	s18 =	sand.u32 @!p1 $0x380, s19  }
0x1f: {  	s19 =	sand.u32 @!p1 $0x7F, s9;
	s17 =	sor.u32 @!p1 s18, s17  }
0x20: {  	s18 =	sor.u32 @!p1 s19, s17  }
0x21: {  	s19 =	smulhi.u32 @!p1 $0xAAAAAAAB, s18  }
0x22: {  	s17 =	smulhi.u32 @!p1 $0xAAAAAAAB, s17  }
0x23: {  	s21 =	smul.u32 @!p1 $0x24000, s12;
	s19 =	sshrl.u32 @!p1 s19, $0x8  }
0x24: {  	s20 =	sxor.u32 @!p1 $0xFFFFFFFF, s8;
	s17 =	sshrl.u32 @!p1 s17, $0x8;
	s19 =	smul.u32 @!p1 $0x180, s19  }
0x25: {  	s22 =	smul.u32 @!p1 $0x180, s11;
	s20 =	sshll.u32 @!p1 s20, $0xE;
	s17 =	sand.u32 @!p1 $0x7, s17  }
0x26: {  	s17 =	smul.u32 @!p1 $0x30, s17;
	s18 =	ssub.s32 @!p1 s18, s19;
	s19 =	sadd.s32 @!p1 s3, s21  }
0x27: {  	s20 =	sand.u32 @!p1 $0x4000, s20;
	s19 =	sadd.s32 @!p1 s22, s19;
	s21 =	sand.u32 @!p1 $0x7, s18  }
0x28: {  	s18 =	sshrl.u32 @!p1 s18, $0x3;
	s17 =	sadd.s32 @!p1 s17, s19;
	s19 =	sshll.u32 @!p1 s21, $0x12  }
0x29: {  	s17 =	sadd.s32 @!p1 s18, s17;
	s18 =	sor.u32 @!p1 $0x80, s19;
	s19 =	simm.s32 @!p1 $0xC00  }
0x2a: {  	[tilespmem:s20], [sflag:$0x1] =	stream.strided.gather @!p1 [hbm4b:s17+s18], $0x4000, s19, s18, $0x38;
	[tilespmem:$0x10000] =	vst v63  }
0x2b: {  	p1 =	seq.s32 s8, $0x0  }
0x2c: {  	p2 =	seq.s32 @!p1 s8, $0x37  }
0x2d: {  	p1 =	por p1, p2  }
.Ltmp2:
0x2e: {  	_ = 	snop;
	(pc) =	sbr.rel @p1 .LBB1_5-.Ltmp2, $1  }
0x2f: {  	_ =	sdelay $0x3  }
0x30: {  	s17 =	simm.s32 $0x1  }
0x31: {  	s17 =	simm.s32 @!p0 $0x0  }
0x32: {  	s17 =	sshll.u32 s17, $0xE  }
0x33: {  	s18 =	sor.u32 $0x70, s17  }
0x34: {  	v1 =	vmov s18;
	_ =	sdelay $0x1  }
0x35: {  	_ =	swait.ge [sflag:s4], $0x4000  }
0x36: {  	[sflag:s4] =	ssyncset.done $0x0  }
0x37: {  	s19 =	simm.s32 $0x0;
	[sflag:s4] =	ssyncadd.s32 $0xFFFFC000  }
0x38: {  	s17 =	sor.u32 $0x8040, s17;
	v6 =	vld.idx.msk [tilespmem:v1+s19+$0x0 ss:$0x1], $0xffff  }
0x39: {  	v0 =	vmov s17;
	v8 =	vld.idx.msk [tilespmem:v1+s19+$0xFFFFFF90 ss:$0x1], $0xffff  }
0x3a: {  	v7 =	vld.idx.msk [tilespmem:v1+s19+$0xFFFFFFA0 ss:$0x1], $0xffff  }
0x3b: {  	v5 =	vld.idx.msk [tilespmem:v1+s19+$0xFFFFFFB0 ss:$0x1], $0xffff  }
0x3c: {  	v4 =	vld.idx.msk [tilespmem:v1+s19+$0xFFFFFFC0 ss:$0x1], $0xffff  }
0x3d: {  	s31 =	sshll.u32 s8, $0xE;
	v2 =	vld.idx.msk [tilespmem:v1+s19+$0xFFFFFFD0 ss:$0x1], $0xffff  }
0x3e: {  	s17 =	sand.u32 $0x4000, s31;
	v3 =	vld.idx.msk [tilespmem:v1+s19+$0xFFFFFFE0 ss:$0x1], $0xffff;
	[tilespmem:v0+s19+$0x30 ss:$0x1] =	vst.idx.msk $0xffff, v6  }
0x3f: {  	s20 =	simm.s32 $0x400;
	s18 =	simm.s32 $0x80;
	s17 =	sor.u32 $0x8000, s17;
	[tilespmem:v0+s19+$0xFFFFFFC0 ss:$0x1] =	vst.idx.msk $0xffff, v8;
	v6 =	vld.idx.msk [tilespmem:v1+s19+$0xFFFFFFF0 ss:$0x1], $0xffff  }
.LBB1_3:
0x40: {  	p1 =	sne.s32 s20, $0xFE00;
	v8 =	vld.idx.msk [tilespmem:v1+s18+$0x0 ss:$0x1], $0xffff;
	[tilespmem:v0+s19+$0xFFFFFFD0 ss:$0x1] =	vst.idx.msk $0xffff, v7  }
0x41: {  	v9 =	vld.idx.msk [tilespmem:v1+s18+$0xFFFFFF90 ss:$0x1], $0xffff;
	[tilespmem:v0+s19+$0xFFFFFFE0 ss:$0x1] =	vst.idx.msk $0xffff, v5  }
0x42: {  	v7 =	vld.idx.msk [tilespmem:v1+s18+$0xFFFFFFA0 ss:$0x1], $0xffff;
	[tilespmem:v0+s19+$0xFFFFFFF0 ss:$0x1] =	vst.idx.msk $0xffff, v4  }
.Ltmp3:
0x43: {  	v5 =	vld.idx.msk [tilespmem:v1+s18+$0xFFFFFFB0 ss:$0x1], $0xffff;
	[tilespmem:v0+s19+$0x0 ss:$0x1] =	vst.idx.msk $0xffff, v2;
	(pc) =	sbr.rel @p1 .LBB1_3-.Ltmp3, $4  }
0x44: {  	v4 =	vld.idx.msk [tilespmem:v1+s18+$0xFFFFFFC0 ss:$0x1], $0xffff;
	[tilespmem:v0+s19+$0x10 ss:$0x1] =	vst.idx.msk $0xffff, v3  }
0x45: {  	v2 =	vld.idx.msk [tilespmem:v1+s18+$0xFFFFFFD0 ss:$0x1], $0xffff;
	[tilespmem:v0+s19+$0x20 ss:$0x1] =	vst.idx.msk $0xffff, v6;
	s19 =	smov.u32 s18  }
0x46: {  	v3 =	vld.idx.msk [tilespmem:v1+s19+$0xFFFFFFE0 ss:$0x1], $0xffff;
	[tilespmem:v0+s19+$0x30 ss:$0x1] =	vst.idx.msk $0xffff, v8  }
0x47: {  	s18 =	sshra.s32 s20, $0x2;
	s20 =	sadd.s32 $0x200, s20;
	[tilespmem:v0+s19+$0xFFFFFFC0 ss:$0x1] =	vst.idx.msk $0xffff, v9;
	v6 =	vld.idx.msk [tilespmem:v1+s19+$0xFFFFFFF0 ss:$0x1], $0xffff  }
0x48: {  	s20 =	sshrl.u32 s16, $0x3  }
0x49: {  	s21 =	sshll.u32 s15, $0x3;
	s20 =	smul.u32 $0xC00, s20  }
0x4a: {  	s26 =	sshll.u32 s16, $0x7;
	s21 =	sand.u32 $0xFFFFFC00, s21  }
0x4b: {  	s16 =	sand.u32 $0x380, s26;
	s20 =	sadd.s32 s20, s21  }
0x4c: {  	[tilespmem:v0+s19+$0xFFFFFFD0 ss:$0x1] =	vst.idx.msk $0xffff, v7;
	s27 =	sand.u32 $0x7F, s15;
	s16 =	sor.u32 s16, s20  }
0x4d: {  	v56 =	vld.idx.msk [tilespmem:v1+s18+$0x0 ss:$0x1], $0xffff;
	[tilespmem:v0+s19+$0xFFFFFFE0 ss:$0x1] =	vst.idx.msk $0xffff, v5;
	s15 =	sor.u32 s27, s16;
	s16 =	smulhi.u32 $0xAAAAAAAB, s16  }
0x4e: {  	v57 =	vld.idx.msk [tilespmem:v1+s18+$0xFFFFFF90 ss:$0x1], $0xffff;
	[tilespmem:v0+s19+$0xFFFFFFF0 ss:$0x1] =	vst.idx.msk $0xffff, v4  }
0x4f: {  	v58 =	vld.idx.msk [tilespmem:v1+s18+$0xFFFFFFA0 ss:$0x1], $0xffff;
	s14 =	smul.u32 $0x24000, s14;
	[tilespmem:v0+s19+$0x0 ss:$0x1] =	vst.idx.msk $0xffff, v2;
	s16 =	sshrl.u32 s16, $0x8  }
0x50: {  	v59 =	vld.idx.msk [tilespmem:v1+s18+$0xFFFFFFB0 ss:$0x1], $0xffff;
	[tilespmem:v0+s19+$0x10 ss:$0x1] =	vst.idx.msk $0xffff, v3;
	s30 =	smulhi.u32 $0xAAAAAB, s16  }
0x51: {  	v60 =	vld.idx.msk [tilespmem:v1+s18+$0xFFFFFFC0 ss:$0x1], $0xffff;
	[tilespmem:v0+s19+$0x20 ss:$0x1] =	vst.idx.msk $0xffff, v6;
	s28 =	smulhi.u32 $0xAAAAAAAB, s15  }
0x52: {  	v61 =	vld.idx.msk [tilespmem:v1+s18+$0xFFFFFFD0 ss:$0x1], $0xffff;
	[tilespmem:v0+s18+$0x30 ss:$0x1] =	vst.idx.msk $0xffff, v56;
	s20 =	smul.u32 $0x180, s30  }
0x53: {  	v62 =	vld.idx.msk [tilespmem:v1+s18+$0xFFFFFFE0 ss:$0x1], $0xffff;
	s13 =	smul.u32 $0x4800, s13;
	[tilespmem:v0+s18+$0xFFFFFFC0 ss:$0x1] =	vst.idx.msk $0xffff, v57;
	s29 =	sshrl.u32 s28, $0x8  }
0x54: {  	v63 =	vld.idx.msk [tilespmem:v1+s18+$0xFFFFFFF0 ss:$0x1], $0xffff;
	[tilespmem:v0+s18+$0xFFFFFFD0 ss:$0x1] =	vst.idx.msk $0xffff, v58;
	s19 =	smul.u32 $0x180, s29;
	s16 =	ssub.s32 s16, s20  }
0x55: {  	[tilespmem:v0+s18+$0xFFFFFFE0 ss:$0x1] =	vst.idx.msk $0xffff, v59;
	s16 =	smul.u32 $0x30, s16  }
.Ltmp4:
0x56: {  	s14 =	sadd.s32 s2, s14;
	[tilespmem:v0+s18+$0xFFFFFFF0 ss:$0x1] =	vst.idx.msk $0xffff, v60;
	s15 =	ssub.s32 s15, s19;
	(pc) =	sbr.rel .LBB1_5-.Ltmp4, $4  }
0x57: {  	s13 =	sadd.s32 s13, s14;
	[tilespmem:v0+s18+$0x0 ss:$0x1] =	vst.idx.msk $0xffff, v61;
	s31 =	sand.u32 $0x7, s15  }
0x58: {  	[tilespmem:v0+s18+$0x10 ss:$0x1] =	vst.idx.msk $0xffff, v62;
	s15 =	sshrl.u32 s15, $0x3;
	s14 =	sshll.u32 s31, $0x12;
	s13 =	sadd.s32 s16, s13  }
0x59: {  	[tilespmem:v0+s18+$0x20 ss:$0x1] =	vst.idx.msk $0xffff, v63;
	s14 =	sor.u32 $0x400, s14;
	s13 =	sadd.s32 s15, s13  }
0x5a: {  	[hbm4b:s13+s14] =	stream.strided.scatter [tilespmem:s17], [sflag:$0x2], $0x4000, s7, s14, $0x38;
	[tilespmem:$0x10000] =	vst v63  }
.LBB1_6:
0x5b: {  	_ =	sfence.sel $0x180000  }
0x5c: {  	s2 =	simm.s32 $0x1;
	[bflag:$0x0] =	sbarrier.arrive $0xFFFF  }
0x5d: {  	s31 =	simm.s32 $0x2;
	[sflag:s2] =	ssyncpa.u1 $0x1  }
0x5e: {  	[sflag:s31] =	ssyncpa.u1 $0x1  }
0x5f: {  	p0 =	sne.s32 s1, $0x0;
	_ =	strace $0x90000047  }
0x60: {  	s0 =	sadd.s32 @!p0 $0x100000, s0;
	[bflag:$0x2] =	sbarrier.arrive $0xFFFF  }
0x61: {  	[sflag:s0] =	ssyncadd.tile.s32 @!p0 $0x1;
	_ =	shalt  }
.Lfunc_end1:
_tile_overlayer_lowered:
.L_overlay_start_2:
0x62: {  	(tag) =	ssettag $0x2  }
0x63: {  	s0 =	rddreg [dreg:$0x0];
	s2 =	stileid.u32  }
0x64: {  	s1 =	rddreg [dreg:$0x1];
	p0 =	sne.s32 s2, $0x0  }
0x65: {  	s3 =	rddreg [dreg:$0x2];
	[bflag:$0x3] =	sbarrier.arrive $0xFFFF;
	s2 =	simm.s32 @!p0 $0x1C01  }
0x66: {  	[timem:s3], [sflag:s2] =	dma.local @!p0 [hbm:s0], s1  }
0x67: {  	s0 =	simm.s32 @!p0 $0x1  }
0x68: {  	_ =	swait.ge @!p0 [sflag:s0], s1  }
0x69: {  	s1 =	ssub.s32 @!p0 $0x0, s1;
	[sflag:s0] =	ssyncset.done @!p0 $0x0  }
0x6a: {  	[sflag:s0] =	ssyncadd.s32 @!p0 s1  }
0x6b: {  	[bflag:$0x3] =	sbarrier.arrive $0xFFFF  }
0x6c: {  	_ =	shalt  }

</sc_bundles>
